<compile_context>
chip_gen: v7x
topology: tpu7x:2x2x1
jax: 0.10.2.dev20260603
libtpu: 0.0.44.dev20260713+nightly
codegen_flags: <defaults>
</compile_context>

<pallas_src>
import functools

import jax
import jax.numpy as jnp
from jax import lax
from jax.experimental import pallas as pl
from jax.experimental.pallas import tpu as pltpu
from jax.experimental.pallas import tpu_sc as plsc

_NUM_EXPERTS = 8
_TOP_K = 2
_BLOCK_S = 1024
_LANES = 16


def _router_body(x_ref, w_ref, b_ref, logits_ref, aff_ref):
    bs, bdim, h = x_ref.shape
    x = x_ref[...].reshape(bs * bdim, h)
    w = w_ref[...]
    logits = jnp.dot(x, w, preferred_element_type=jnp.float32) + b_ref[...]
    lt = logits.T
    logits_ref[...] = lt

    m = jnp.max(lt, axis=0, keepdims=True)
    e = jnp.exp(lt - m)
    aff_ref[...] = e / jnp.sum(e, axis=0, keepdims=True)


def _tc_router(hidden_states, wt, b2):
    S, B, H = hidden_states.shape
    T = S * B
    block_t = _BLOCK_S * B
    grid = (S // _BLOCK_S,)
    return pl.pallas_call(
        _router_body,
        grid=grid,
        in_specs=[
            pl.BlockSpec((_BLOCK_S, B, H), lambda i: (i, 0, 0)),
            pl.BlockSpec((H, _NUM_EXPERTS), lambda i: (0, 0)),
            pl.BlockSpec((1, _NUM_EXPERTS), lambda i: (0, 0)),
        ],
        out_specs=[
            pl.BlockSpec((_NUM_EXPERTS, block_t), lambda i: (0, i)),
            pl.BlockSpec((_NUM_EXPERTS, block_t), lambda i: (0, i)),
        ],
        out_shape=[
            jax.ShapeDtypeStruct((_NUM_EXPERTS, T), jnp.float32),
            jax.ShapeDtypeStruct((_NUM_EXPERTS, T), jnp.float32),
        ],
    )(hidden_states, wt, b2)


def _make_sc_topk(T):
    info = plsc.get_sparse_core_info()
    nworkers = info.num_cores * info.num_subcores
    cols = T // nworkers
    mesh = plsc.VectorSubcoreMesh(core_axis_name="c", subcore_axis_name="s")

    @functools.partial(
        pl.kernel,
        mesh=mesh,
        out_type=jax.ShapeDtypeStruct((_TOP_K, T), jnp.int32),
        scratch_types=[
            pltpu.VMEM((_NUM_EXPERTS, cols), jnp.float32),
            pltpu.VMEM((_TOP_K, cols), jnp.int32),
        ],
    )
    def sc_topk(logits_hbm, out_hbm, lbuf, obuf):
        wid = lax.axis_index("s") * info.num_cores + lax.axis_index("c")
        base = wid * cols
        for e in range(_NUM_EXPERTS):
            pltpu.sync_copy(logits_hbm.at[e, pl.ds(base, cols)], lbuf.at[e])

        def body(j, carry):
            sl = pl.ds(j * _LANES, _LANES)
            v = [lbuf[e, sl] for e in range(_NUM_EXPERTS)]
            neg_inf = jnp.full((_LANES,), -jnp.inf, jnp.float32)
            best = v[0]
            bi = jnp.zeros((_LANES,), jnp.int32)
            for e in range(1, _NUM_EXPERTS):
                gt = v[e] > best
                bi = jnp.where(gt, jnp.int32(e), bi)
                best = jnp.maximum(v[e], best)
            second = neg_inf
            si = jnp.zeros((_LANES,), jnp.int32)
            for e in range(_NUM_EXPERTS):
                ve = jnp.where(bi == e, neg_inf, v[e])
                gt = ve > second
                si = jnp.where(gt, jnp.int32(e), si)
                second = jnp.maximum(ve, second)
            obuf[0, sl] = bi
            obuf[1, sl] = si
            return carry

        lax.fori_loop(0, cols // _LANES, body, 0)
        for r in range(_TOP_K):
            pltpu.sync_copy(obuf.at[r], out_hbm.at[r, pl.ds(base, cols)])

    return sc_topk


def kernel(hidden_states, W, b):
    S, B, H = hidden_states.shape
    T = S * B
    wt = W.T
    b2 = b.reshape(1, _NUM_EXPERTS)
    logits_t, aff_t = _tc_router(hidden_states, wt, b2)
    idx_t = _make_sc_topk(T)(logits_t)
    return (logits_t.T, aff_t.T, idx_t.T)

# --- scband reference (transcript-rebuilt; emitter-appended) ---
"""Pipeline reference for scband-router-top-k-17532056502441 (READ-ONLY COPY).

The authoritative reference and input builder live on the scoring server;
editing this copy changes nothing except your own understanding.
"""

import jax, jax.numpy as jnp
import numpy as np

NUM_EXPERTS = 8
TOP_K = 2
HIDDEN = 768
S = 8192
B = 4


def setup_inputs(seed: int = 0) -> dict:
    key = jax.random.key(seed)
    k1, k2, k3 = jax.random.split(key, 3)
    hidden_states = jax.random.normal(k1, (S, B, HIDDEN), dtype=jnp.float32)
    # Router linear layer parameters (InputParallelLinear: hidden_size -> num_experts)
    W = jax.random.normal(k2, (NUM_EXPERTS, HIDDEN), dtype=jnp.float32) * 0.02
    b = jnp.zeros((NUM_EXPERTS,), dtype=jnp.float32)
    return {"hidden_states": hidden_states, "W": W, "b": b}


def reference(hidden_states, W, b):
    # linear_router: (S, B, H) @ (H, E) -> (S, B, E)
    router_logits = jnp.einsum('sbh,eh->sbe', hidden_states, W) + b
    # flatten token dim: (T, E)
    router_logits = router_logits.reshape(-1, NUM_EXPERTS)
    # softmax in high precision (float64 in torch; downcast-safe under jax default x32)
    expert_affinities = jax.nn.softmax(router_logits.astype(jnp.float64), axis=1)
    # top-k over logits (not affinities), indices detached
    _, expert_index = jax.lax.top_k(router_logits, TOP_K)
    expert_index = expert_index.astype(jnp.int32)
    expert_affinities = expert_affinities.astype(hidden_states.dtype)
    return (router_logits, expert_affinities, expert_index)

if __name__ == "__main__":
    import jax
    _d = setup_inputs()
    print(jax.jit(kernel)(*tuple(_d.values())))

</pallas_src>

<mosaic_0001>
#map = affine_map<(d0, d1) -> (0, 0)>
module attributes {stable_mosaic.version = 14 : i64} {
  func.func @sc_topk(%arg0: i32, %arg1: i32, %arg2: memref<8x32768xf32, #tpu.memory_space<hbm>>, %arg3: memref<2x32768xi32, #tpu.memory_space<hbm>>, %arg4: memref<8x1024xf32, #tpu.memory_space<vmem>>, %arg5: memref<2x1024xi32, #tpu.memory_space<vmem>>) attributes {dimension_semantics = [#tpu.dimension_semantics<core_parallel>, #tpu.dimension_semantics<subcore_parallel>], iteration_bounds = array<i64: 2, 16>, scalar_prefetch = 0 : i64, scratch_operands = 2 : i64, tpu.core_type = #tpu.core_type<sc_vector_subcore>, window_params = [{transform_indices = #map}, {transform_indices = #map}]} {
    %mul3A = arith.constant 2 : i32
    %mul3A_0 = arith.muli %arg1, %mul3A : i32
    %add3A = arith.addi %mul3A_0, %arg0 : i32
    %mul3A_1 = arith.constant 1024 : i32
    %mul3A_2 = arith.muli %add3A, %mul3A_1 : i32
    %run_scoped3A = arith.constant 0 : i32
    %run_scoped3A_3 = arith.constant 0 : i32
    "tpu.region"() ({
      %run_scoped3A_27 = tpu.sem_alloc : memref<!tpu.dma_semaphore, #tpu.memory_space<semaphore_mem>>
      %dma_start3A = arith.constant 0 : i32
      %dma_start3A_28 = tpu.memref_slice %arg4[%run_scoped3A_3, %dma_start3A] : memref<8x1024xf32, #tpu.memory_space<vmem>> -> memref<1x1024xf32, #tpu.memory_space<vmem>>
      %dma_start3A_29 = tpu.memref_squeeze %dma_start3A_28 : memref<1x1024xf32, #tpu.memory_space<vmem>> -> memref<1024xf32, #tpu.memory_space<vmem>>
      %dma_start3A_30 = tpu.memref_slice %arg2[%run_scoped3A, %mul3A_2] : memref<8x32768xf32, #tpu.memory_space<hbm>> -> memref<1x1024xf32, #tpu.memory_space<hbm>>
      %dma_start3A_31 = tpu.memref_squeeze %dma_start3A_30 : memref<1x1024xf32, #tpu.memory_space<hbm>> -> memref<1024xf32, #tpu.memory_space<hbm>>
      %dma_start3A_32 = arith.constant 0 : i32
      %dma_start3A_33 = tpu.memref_slice %arg4[%run_scoped3A_3, %dma_start3A_32] : memref<8x1024xf32, #tpu.memory_space<vmem>> -> memref<1x1024xf32, #tpu.memory_space<vmem>>
      %dma_start3A_34 = tpu.memref_squeeze %dma_start3A_33 : memref<1x1024xf32, #tpu.memory_space<vmem>> -> memref<1024xf32, #tpu.memory_space<vmem>>
      %dma_start3A_35 = tpu.memref_slice %arg2[%run_scoped3A, %mul3A_2] : memref<8x32768xf32, #tpu.memory_space<hbm>> -> memref<1x1024xf32, #tpu.memory_space<hbm>>
      %dma_start3A_36 = tpu.memref_squeeze %dma_start3A_35 : memref<1x1024xf32, #tpu.memory_space<hbm>> -> memref<1024xf32, #tpu.memory_space<hbm>>
      tpu.enqueue_dma source(%dma_start3A_36 : memref<1024xf32, #tpu.memory_space<hbm>>) target(%dma_start3A_34 : memref<1024xf32, #tpu.memory_space<vmem>>) target_semaphore(%run_scoped3A_27 : memref<!tpu.dma_semaphore, #tpu.memory_space<semaphore_mem>>)
      %dma_wait3A = arith.constant 0 : i32
      %dma_wait3A_37 = tpu.memref_slice %arg4[%run_scoped3A_3, %dma_wait3A] : memref<8x1024xf32, #tpu.memory_space<vmem>> -> memref<1x1024xf32, #tpu.memory_space<vmem>>
      %dma_wait3A_38 = tpu.memref_squeeze %dma_wait3A_37 : memref<1x1024xf32, #tpu.memory_space<vmem>> -> memref<1024xf32, #tpu.memory_space<vmem>>
      %dma_wait3A_39 = tpu.memref_slice %arg2[%run_scoped3A, %mul3A_2] : memref<8x32768xf32, #tpu.memory_space<hbm>> -> memref<1x1024xf32, #tpu.memory_space<hbm>>
      %dma_wait3A_40 = tpu.memref_squeeze %dma_wait3A_39 : memref<1x1024xf32, #tpu.memory_space<hbm>> -> memref<1024xf32, #tpu.memory_space<hbm>>
      %dma_wait3A_41 = arith.constant 0 : i32
      %dma_wait3A_42 = tpu.memref_slice %arg4[%run_scoped3A_3, %dma_wait3A_41] : memref<8x1024xf32, #tpu.memory_space<vmem>> -> memref<1x1024xf32, #tpu.memory_space<vmem>>
      %dma_wait3A_43 = tpu.memref_squeeze %dma_wait3A_42 : memref<1x1024xf32, #tpu.memory_space<vmem>> -> memref<1024xf32, #tpu.memory_space<vmem>>
      %dma_wait3A_44 = tpu.memref_slice %arg2[%run_scoped3A, %mul3A_2] : memref<8x32768xf32, #tpu.memory_space<hbm>> -> memref<1x1024xf32, #tpu.memory_space<hbm>>
      %dma_wait3A_45 = tpu.memref_squeeze %dma_wait3A_44 : memref<1x1024xf32, #tpu.memory_space<hbm>> -> memref<1024xf32, #tpu.memory_space<hbm>>
      tpu.wait_dma2 semaphore(%run_scoped3A_27 : memref<!tpu.dma_semaphore, #tpu.memory_space<semaphore_mem>>) src(%dma_wait3A_45 : memref<1024xf32, #tpu.memory_space<hbm>>) dst(%dma_wait3A_43 : memref<1024xf32, #tpu.memory_space<vmem>>)
      tpu.yield
    }) : () -> ()
    %run_scoped3A_4 = arith.constant 1 : i32
    %run_scoped3A_5 = arith.constant 1 : i32
    "tpu.region"() ({
      %run_scoped3A_27 = tpu.sem_alloc : memref<!tpu.dma_semaphore, #tpu.memory_space<semaphore_mem>>
      %dma_start3A = arith.constant 0 : i32
      %dma_start3A_28 = tpu.memref_slice %arg4[%run_scoped3A_5, %dma_start3A] : memref<8x1024xf32, #tpu.memory_space<vmem>> -> memref<1x1024xf32, #tpu.memory_space<vmem>>
      %dma_start3A_29 = tpu.memref_squeeze %dma_start3A_28 : memref<1x1024xf32, #tpu.memory_space<vmem>> -> memref<1024xf32, #tpu.memory_space<vmem>>
      %dma_start3A_30 = tpu.memref_slice %arg2[%run_scoped3A_4, %mul3A_2] : memref<8x32768xf32, #tpu.memory_space<hbm>> -> memref<1x1024xf32, #tpu.memory_space<hbm>>
      %dma_start3A_31 = tpu.memref_squeeze %dma_start3A_30 : memref<1x1024xf32, #tpu.memory_space<hbm>> -> memref<1024xf32, #tpu.memory_space<hbm>>
      %dma_start3A_32 = arith.constant 0 : i32
      %dma_start3A_33 = tpu.memref_slice %arg4[%run_scoped3A_5, %dma_start3A_32] : memref<8x1024xf32, #tpu.memory_space<vmem>> -> memref<1x1024xf32, #tpu.memory_space<vmem>>
      %dma_start3A_34 = tpu.memref_squeeze %dma_start3A_33 : memref<1x1024xf32, #tpu.memory_space<vmem>> -> memref<1024xf32, #tpu.memory_space<vmem>>
      %dma_start3A_35 = tpu.memref_slice %arg2[%run_scoped3A_4, %mul3A_2] : memref<8x32768xf32, #tpu.memory_space<hbm>> -> memref<1x1024xf32, #tpu.memory_space<hbm>>
      %dma_start3A_36 = tpu.memref_squeeze %dma_start3A_35 : memref<1x1024xf32, #tpu.memory_space<hbm>> -> memref<1024xf32, #tpu.memory_space<hbm>>
      tpu.enqueue_dma source(%dma_start3A_36 : memref<1024xf32, #tpu.memory_space<hbm>>) target(%dma_start3A_34 : memref<1024xf32, #tpu.memory_space<vmem>>) target_semaphore(%run_scoped3A_27 : memref<!tpu.dma_semaphore, #tpu.memory_space<semaphore_mem>>)
      %dma_wait3A = arith.constant 0 : i32
      %dma_wait3A_37 = tpu.memref_slice %arg4[%run_scoped3A_5, %dma_wait3A] : memref<8x1024xf32, #tpu.memory_space<vmem>> -> memref<1x1024xf32, #tpu.memory_space<vmem>>
      %dma_wait3A_38 = tpu.memref_squeeze %dma_wait3A_37 : memref<1x1024xf32, #tpu.memory_space<vmem>> -> memref<1024xf32, #tpu.memory_space<vmem>>
      %dma_wait3A_39 = tpu.memref_slice %arg2[%run_scoped3A_4, %mul3A_2] : memref<8x32768xf32, #tpu.memory_space<hbm>> -> memref<1x1024xf32, #tpu.memory_space<hbm>>
      %dma_wait3A_40 = tpu.memref_squeeze %dma_wait3A_39 : memref<1x1024xf32, #tpu.memory_space<hbm>> -> memref<1024xf32, #tpu.memory_space<hbm>>
      %dma_wait3A_41 = arith.constant 0 : i32
      %dma_wait3A_42 = tpu.memref_slice %arg4[%run_scoped3A_5, %dma_wait3A_41] : memref<8x1024xf32, #tpu.memory_space<vmem>> -> memref<1x1024xf32, #tpu.memory_space<vmem>>
      %dma_wait3A_43 = tpu.memref_squeeze %dma_wait3A_42 : memref<1x1024xf32, #tpu.memory_space<vmem>> -> memref<1024xf32, #tpu.memory_space<vmem>>
      %dma_wait3A_44 = tpu.memref_slice %arg2[%run_scoped3A_4, %mul3A_2] : memref<8x32768xf32, #tpu.memory_space<hbm>> -> memref<1x1024xf32, #tpu.memory_space<hbm>>
      %dma_wait3A_45 = tpu.memref_squeeze %dma_wait3A_44 : memref<1x1024xf32, #tpu.memory_space<hbm>> -> memref<1024xf32, #tpu.memory_space<hbm>>
      tpu.wait_dma2 semaphore(%run_scoped3A_27 : memref<!tpu.dma_semaphore, #tpu.memory_space<semaphore_mem>>) src(%dma_wait3A_45 : memref<1024xf32, #tpu.memory_space<hbm>>) dst(%dma_wait3A_43 : memref<1024xf32, #tpu.memory_space<vmem>>)
      tpu.yield
    }) : () -> ()
    %run_scoped3A_6 = arith.constant 2 : i32
    %run_scoped3A_7 = arith.constant 2 : i32
    "tpu.region"() ({
      %run_scoped3A_27 = tpu.sem_alloc : memref<!tpu.dma_semaphore, #tpu.memory_space<semaphore_mem>>
      %dma_start3A = arith.constant 0 : i32
      %dma_start3A_28 = tpu.memref_slice %arg4[%run_scoped3A_7, %dma_start3A] : memref<8x1024xf32, #tpu.memory_space<vmem>> -> memref<1x1024xf32, #tpu.memory_space<vmem>>
      %dma_start3A_29 = tpu.memref_squeeze %dma_start3A_28 : memref<1x1024xf32, #tpu.memory_space<vmem>> -> memref<1024xf32, #tpu.memory_space<vmem>>
      %dma_start3A_30 = tpu.memref_slice %arg2[%run_scoped3A_6, %mul3A_2] : memref<8x32768xf32, #tpu.memory_space<hbm>> -> memref<1x1024xf32, #tpu.memory_space<hbm>>
      %dma_start3A_31 = tpu.memref_squeeze %dma_start3A_30 : memref<1x1024xf32, #tpu.memory_space<hbm>> -> memref<1024xf32, #tpu.memory_space<hbm>>
      %dma_start3A_32 = arith.constant 0 : i32
      %dma_start3A_33 = tpu.memref_slice %arg4[%run_scoped3A_7, %dma_start3A_32] : memref<8x1024xf32, #tpu.memory_space<vmem>> -> memref<1x1024xf32, #tpu.memory_space<vmem>>
      %dma_start3A_34 = tpu.memref_squeeze %dma_start3A_33 : memref<1x1024xf32, #tpu.memory_space<vmem>> -> memref<1024xf32, #tpu.memory_space<vmem>>
      %dma_start3A_35 = tpu.memref_slice %arg2[%run_scoped3A_6, %mul3A_2] : memref<8x32768xf32, #tpu.memory_space<hbm>> -> memref<1x1024xf32, #tpu.memory_space<hbm>>
      %dma_start3A_36 = tpu.memref_squeeze %dma_start3A_35 : memref<1x1024xf32, #tpu.memory_space<hbm>> -> memref<1024xf32, #tpu.memory_space<hbm>>
      tpu.enqueue_dma source(%dma_start3A_36 : memref<1024xf32, #tpu.memory_space<hbm>>) target(%dma_start3A_34 : memref<1024xf32, #tpu.memory_space<vmem>>) target_semaphore(%run_scoped3A_27 : memref<!tpu.dma_semaphore, #tpu.memory_space<semaphore_mem>>)
      %dma_wait3A = arith.constant 0 : i32
      %dma_wait3A_37 = tpu.memref_slice %arg4[%run_scoped3A_7, %dma_wait3A] : memref<8x1024xf32, #tpu.memory_space<vmem>> -> memref<1x1024xf32, #tpu.memory_space<vmem>>
      %dma_wait3A_38 = tpu.memref_squeeze %dma_wait3A_37 : memref<1x1024xf32, #tpu.memory_space<vmem>> -> memref<1024xf32, #tpu.memory_space<vmem>>
      %dma_wait3A_39 = tpu.memref_slice %arg2[%run_scoped3A_6, %mul3A_2] : memref<8x32768xf32, #tpu.memory_space<hbm>> -> memref<1x1024xf32, #tpu.memory_space<hbm>>
      %dma_wait3A_40 = tpu.memref_squeeze %dma_wait3A_39 : memref<1x1024xf32, #tpu.memory_space<hbm>> -> memref<1024xf32, #tpu.memory_space<hbm>>
      %dma_wait3A_41 = arith.constant 0 : i32
      %dma_wait3A_42 = tpu.memref_slice %arg4[%run_scoped3A_7, %dma_wait3A_41] : memref<8x1024xf32, #tpu.memory_space<vmem>> -> memref<1x1024xf32, #tpu.memory_space<vmem>>
      %dma_wait3A_43 = tpu.memref_squeeze %dma_wait3A_42 : memref<1x1024xf32, #tpu.memory_space<vmem>> -> memref<1024xf32, #tpu.memory_space<vmem>>
      %dma_wait3A_44 = tpu.memref_slice %arg2[%run_scoped3A_6, %mul3A_2] : memref<8x32768xf32, #tpu.memory_space<hbm>> -> memref<1x1024xf32, #tpu.memory_space<hbm>>
      %dma_wait3A_45 = tpu.memref_squeeze %dma_wait3A_44 : memref<1x1024xf32, #tpu.memory_space<hbm>> -> memref<1024xf32, #tpu.memory_space<hbm>>
      tpu.wait_dma2 semaphore(%run_scoped3A_27 : memref<!tpu.dma_semaphore, #tpu.memory_space<semaphore_mem>>) src(%dma_wait3A_45 : memref<1024xf32, #tpu.memory_space<hbm>>) dst(%dma_wait3A_43 : memref<1024xf32, #tpu.memory_space<vmem>>)
      tpu.yield
    }) : () -> ()
    %run_scoped3A_8 = arith.constant 3 : i32
    %run_scoped3A_9 = arith.constant 3 : i32
    "tpu.region"() ({
      %run_scoped3A_27 = tpu.sem_alloc : memref<!tpu.dma_semaphore, #tpu.memory_space<semaphore_mem>>
      %dma_start3A = arith.constant 0 : i32
      %dma_start3A_28 = tpu.memref_slice %arg4[%run_scoped3A_9, %dma_start3A] : memref<8x1024xf32, #tpu.memory_space<vmem>> -> memref<1x1024xf32, #tpu.memory_space<vmem>>
      %dma_start3A_29 = tpu.memref_squeeze %dma_start3A_28 : memref<1x1024xf32, #tpu.memory_space<vmem>> -> memref<1024xf32, #tpu.memory_space<vmem>>
      %dma_start3A_30 = tpu.memref_slice %arg2[%run_scoped3A_8, %mul3A_2] : memref<8x32768xf32, #tpu.memory_space<hbm>> -> memref<1x1024xf32, #tpu.memory_space<hbm>>
      %dma_start3A_31 = tpu.memref_squeeze %dma_start3A_30 : memref<1x1024xf32, #tpu.memory_space<hbm>> -> memref<1024xf32, #tpu.memory_space<hbm>>
      %dma_start3A_32 = arith.constant 0 : i32
      %dma_start3A_33 = tpu.memref_slice %arg4[%run_scoped3A_9, %dma_start3A_32] : memref<8x1024xf32, #tpu.memory_space<vmem>> -> memref<1x1024xf32, #tpu.memory_space<vmem>>
      %dma_start3A_34 = tpu.memref_squeeze %dma_start3A_33 : memref<1x1024xf32, #tpu.memory_space<vmem>> -> memref<1024xf32, #tpu.memory_space<vmem>>
      %dma_start3A_35 = tpu.memref_slice %arg2[%run_scoped3A_8, %mul3A_2] : memref<8x32768xf32, #tpu.memory_space<hbm>> -> memref<1x1024xf32, #tpu.memory_space<hbm>>
      %dma_start3A_36 = tpu.memref_squeeze %dma_start3A_35 : memref<1x1024xf32, #tpu.memory_space<hbm>> -> memref<1024xf32, #tpu.memory_space<hbm>>
      tpu.enqueue_dma source(%dma_start3A_36 : memref<1024xf32, #tpu.memory_space<hbm>>) target(%dma_start3A_34 : memref<1024xf32, #tpu.memory_space<vmem>>) target_semaphore(%run_scoped3A_27 : memref<!tpu.dma_semaphore, #tpu.memory_space<semaphore_mem>>)
      %dma_wait3A = arith.constant 0 : i32
      %dma_wait3A_37 = tpu.memref_slice %arg4[%run_scoped3A_9, %dma_wait3A] : memref<8x1024xf32, #tpu.memory_space<vmem>> -> memref<1x1024xf32, #tpu.memory_space<vmem>>
      %dma_wait3A_38 = tpu.memref_squeeze %dma_wait3A_37 : memref<1x1024xf32, #tpu.memory_space<vmem>> -> memref<1024xf32, #tpu.memory_space<vmem>>
      %dma_wait3A_39 = tpu.memref_slice %arg2[%run_scoped3A_8, %mul3A_2] : memref<8x32768xf32, #tpu.memory_space<hbm>> -> memref<1x1024xf32, #tpu.memory_space<hbm>>
      %dma_wait3A_40 = tpu.memref_squeeze %dma_wait3A_39 : memref<1x1024xf32, #tpu.memory_space<hbm>> -> memref<1024xf32, #tpu.memory_space<hbm>>
      %dma_wait3A_41 = arith.constant 0 : i32
      %dma_wait3A_42 = tpu.memref_slice %arg4[%run_scoped3A_9, %dma_wait3A_41] : memref<8x1024xf32, #tpu.memory_space<vmem>> -> memref<1x1024xf32, #tpu.memory_space<vmem>>
      %dma_wait3A_43 = tpu.memref_squeeze %dma_wait3A_42 : memref<1x1024xf32, #tpu.memory_space<vmem>> -> memref<1024xf32, #tpu.memory_space<vmem>>
      %dma_wait3A_44 = tpu.memref_slice %arg2[%run_scoped3A_8, %mul3A_2] : memref<8x32768xf32, #tpu.memory_space<hbm>> -> memref<1x1024xf32, #tpu.memory_space<hbm>>
      %dma_wait3A_45 = tpu.memref_squeeze %dma_wait3A_44 : memref<1x1024xf32, #tpu.memory_space<hbm>> -> memref<1024xf32, #tpu.memory_space<hbm>>
      tpu.wait_dma2 semaphore(%run_scoped3A_27 : memref<!tpu.dma_semaphore, #tpu.memory_space<semaphore_mem>>) src(%dma_wait3A_45 : memref<1024xf32, #tpu.memory_space<hbm>>) dst(%dma_wait3A_43 : memref<1024xf32, #tpu.memory_space<vmem>>)
      tpu.yield
    }) : () -> ()
    %run_scoped3A_10 = arith.constant 4 : i32
    %run_scoped3A_11 = arith.constant 4 : i32
    "tpu.region"() ({
      %run_scoped3A_27 = tpu.sem_alloc : memref<!tpu.dma_semaphore, #tpu.memory_space<semaphore_mem>>
      %dma_start3A = arith.constant 0 : i32
      %dma_start3A_28 = tpu.memref_slice %arg4[%run_scoped3A_11, %dma_start3A] : memref<8x1024xf32, #tpu.memory_space<vmem>> -> memref<1x1024xf32, #tpu.memory_space<vmem>>
      %dma_start3A_29 = tpu.memref_squeeze %dma_start3A_28 : memref<1x1024xf32, #tpu.memory_space<vmem>> -> memref<1024xf32, #tpu.memory_space<vmem>>
      %dma_start3A_30 = tpu.memref_slice %arg2[%run_scoped3A_10, %mul3A_2] : memref<8x32768xf32, #tpu.memory_space<hbm>> -> memref<1x1024xf32, #tpu.memory_space<hbm>>
      %dma_start3A_31 = tpu.memref_squeeze %dma_start3A_30 : memref<1x1024xf32, #tpu.memory_space<hbm>> -> memref<1024xf32, #tpu.memory_space<hbm>>
      %dma_start3A_32 = arith.constant 0 : i32
      %dma_start3A_33 = tpu.memref_slice %arg4[%run_scoped3A_11, %dma_start3A_32] : memref<8x1024xf32, #tpu.memory_space<vmem>> -> memref<1x1024xf32, #tpu.memory_space<vmem>>
      %dma_start3A_34 = tpu.memref_squeeze %dma_start3A_33 : memref<1x1024xf32, #tpu.memory_space<vmem>> -> memref<1024xf32, #tpu.memory_space<vmem>>
      %dma_start3A_35 = tpu.memref_slice %arg2[%run_scoped3A_10, %mul3A_2] : memref<8x32768xf32, #tpu.memory_space<hbm>> -> memref<1x1024xf32, #tpu.memory_space<hbm>>
      %dma_start3A_36 = tpu.memref_squeeze %dma_start3A_35 : memref<1x1024xf32, #tpu.memory_space<hbm>> -> memref<1024xf32, #tpu.memory_space<hbm>>
      tpu.enqueue_dma source(%dma_start3A_36 : memref<1024xf32, #tpu.memory_space<hbm>>) target(%dma_start3A_34 : memref<1024xf32, #tpu.memory_space<vmem>>) target_semaphore(%run_scoped3A_27 : memref<!tpu.dma_semaphore, #tpu.memory_space<semaphore_mem>>)
      %dma_wait3A = arith.constant 0 : i32
      %dma_wait3A_37 = tpu.memref_slice %arg4[%run_scoped3A_11, %dma_wait3A] : memref<8x1024xf32, #tpu.memory_space<vmem>> -> memref<1x1024xf32, #tpu.memory_space<vmem>>
      %dma_wait3A_38 = tpu.memref_squeeze %dma_wait3A_37 : memref<1x1024xf32, #tpu.memory_space<vmem>> -> memref<1024xf32, #tpu.memory_space<vmem>>
      %dma_wait3A_39 = tpu.memref_slice %arg2[%run_scoped3A_10, %mul3A_2] : memref<8x32768xf32, #tpu.memory_space<hbm>> -> memref<1x1024xf32, #tpu.memory_space<hbm>>
      %dma_wait3A_40 = tpu.memref_squeeze %dma_wait3A_39 : memref<1x1024xf32, #tpu.memory_space<hbm>> -> memref<1024xf32, #tpu.memory_space<hbm>>
      %dma_wait3A_41 = arith.constant 0 : i32
      %dma_wait3A_42 = tpu.memref_slice %arg4[%run_scoped3A_11, %dma_wait3A_41] : memref<8x1024xf32, #tpu.memory_space<vmem>> -> memref<1x1024xf32, #tpu.memory_space<vmem>>
      %dma_wait3A_43 = tpu.memref_squeeze %dma_wait3A_42 : memref<1x1024xf32, #tpu.memory_space<vmem>> -> memref<1024xf32, #tpu.memory_space<vmem>>
      %dma_wait3A_44 = tpu.memref_slice %arg2[%run_scoped3A_10, %mul3A_2] : memref<8x32768xf32, #tpu.memory_space<hbm>> -> memref<1x1024xf32, #tpu.memory_space<hbm>>
      %dma_wait3A_45 = tpu.memref_squeeze %dma_wait3A_44 : memref<1x1024xf32, #tpu.memory_space<hbm>> -> memref<1024xf32, #tpu.memory_space<hbm>>
      tpu.wait_dma2 semaphore(%run_scoped3A_27 : memref<!tpu.dma_semaphore, #tpu.memory_space<semaphore_mem>>) src(%dma_wait3A_45 : memref<1024xf32, #tpu.memory_space<hbm>>) dst(%dma_wait3A_43 : memref<1024xf32, #tpu.memory_space<vmem>>)
      tpu.yield
    }) : () -> ()
    %run_scoped3A_12 = arith.constant 5 : i32
    %run_scoped3A_13 = arith.constant 5 : i32
    "tpu.region"() ({
      %run_scoped3A_27 = tpu.sem_alloc : memref<!tpu.dma_semaphore, #tpu.memory_space<semaphore_mem>>
      %dma_start3A = arith.constant 0 : i32
      %dma_start3A_28 = tpu.memref_slice %arg4[%run_scoped3A_13, %dma_start3A] : memref<8x1024xf32, #tpu.memory_space<vmem>> -> memref<1x1024xf32, #tpu.memory_space<vmem>>
      %dma_start3A_29 = tpu.memref_squeeze %dma_start3A_28 : memref<1x1024xf32, #tpu.memory_space<vmem>> -> memref<1024xf32, #tpu.memory_space<vmem>>
      %dma_start3A_30 = tpu.memref_slice %arg2[%run_scoped3A_12, %mul3A_2] : memref<8x32768xf32, #tpu.memory_space<hbm>> -> memref<1x1024xf32, #tpu.memory_space<hbm>>
      %dma_start3A_31 = tpu.memref_squeeze %dma_start3A_30 : memref<1x1024xf32, #tpu.memory_space<hbm>> -> memref<1024xf32, #tpu.memory_space<hbm>>
      %dma_start3A_32 = arith.constant 0 : i32
      %dma_start3A_33 = tpu.memref_slice %arg4[%run_scoped3A_13, %dma_start3A_32] : memref<8x1024xf32, #tpu.memory_space<vmem>> -> memref<1x1024xf32, #tpu.memory_space<vmem>>
      %dma_start3A_34 = tpu.memref_squeeze %dma_start3A_33 : memref<1x1024xf32, #tpu.memory_space<vmem>> -> memref<1024xf32, #tpu.memory_space<vmem>>
      %dma_start3A_35 = tpu.memref_slice %arg2[%run_scoped3A_12, %mul3A_2] : memref<8x32768xf32, #tpu.memory_space<hbm>> -> memref<1x1024xf32, #tpu.memory_space<hbm>>
      %dma_start3A_36 = tpu.memref_squeeze %dma_start3A_35 : memref<1x1024xf32, #tpu.memory_space<hbm>> -> memref<1024xf32, #tpu.memory_space<hbm>>
      tpu.enqueue_dma source(%dma_start3A_36 : memref<1024xf32, #tpu.memory_space<hbm>>) target(%dma_start3A_34 : memref<1024xf32, #tpu.memory_space<vmem>>) target_semaphore(%run_scoped3A_27 : memref<!tpu.dma_semaphore, #tpu.memory_space<semaphore_mem>>)
      %dma_wait3A = arith.constant 0 : i32
      %dma_wait3A_37 = tpu.memref_slice %arg4[%run_scoped3A_13, %dma_wait3A] : memref<8x1024xf32, #tpu.memory_space<vmem>> -> memref<1x1024xf32, #tpu.memory_space<vmem>>
      %dma_wait3A_38 = tpu.memref_squeeze %dma_wait3A_37 : memref<1x1024xf32, #tpu.memory_space<vmem>> -> memref<1024xf32, #tpu.memory_space<vmem>>
      %dma_wait3A_39 = tpu.memref_slice %arg2[%run_scoped3A_12, %mul3A_2] : memref<8x32768xf32, #tpu.memory_space<hbm>> -> memref<1x1024xf32, #tpu.memory_space<hbm>>
      %dma_wait3A_40 = tpu.memref_squeeze %dma_wait3A_39 : memref<1x1024xf32, #tpu.memory_space<hbm>> -> memref<1024xf32, #tpu.memory_space<hbm>>
      %dma_wait3A_41 = arith.constant 0 : i32
      %dma_wait3A_42 = tpu.memref_slice %arg4[%run_scoped3A_13, %dma_wait3A_41] : memref<8x1024xf32, #tpu.memory_space<vmem>> -> memref<1x1024xf32, #tpu.memory_space<vmem>>
      %dma_wait3A_43 = tpu.memref_squeeze %dma_wait3A_42 : memref<1x1024xf32, #tpu.memory_space<vmem>> -> memref<1024xf32, #tpu.memory_space<vmem>>
      %dma_wait3A_44 = tpu.memref_slice %arg2[%run_scoped3A_12, %mul3A_2] : memref<8x32768xf32, #tpu.memory_space<hbm>> -> memref<1x1024xf32, #tpu.memory_space<hbm>>
      %dma_wait3A_45 = tpu.memref_squeeze %dma_wait3A_44 : memref<1x1024xf32, #tpu.memory_space<hbm>> -> memref<1024xf32, #tpu.memory_space<hbm>>
      tpu.wait_dma2 semaphore(%run_scoped3A_27 : memref<!tpu.dma_semaphore, #tpu.memory_space<semaphore_mem>>) src(%dma_wait3A_45 : memref<1024xf32, #tpu.memory_space<hbm>>) dst(%dma_wait3A_43 : memref<1024xf32, #tpu.memory_space<vmem>>)
      tpu.yield
    }) : () -> ()
    %run_scoped3A_14 = arith.constant 6 : i32
    %run_scoped3A_15 = arith.constant 6 : i32
    "tpu.region"() ({
      %run_scoped3A_27 = tpu.sem_alloc : memref<!tpu.dma_semaphore, #tpu.memory_space<semaphore_mem>>
      %dma_start3A = arith.constant 0 : i32
      %dma_start3A_28 = tpu.memref_slice %arg4[%run_scoped3A_15, %dma_start3A] : memref<8x1024xf32, #tpu.memory_space<vmem>> -> memref<1x1024xf32, #tpu.memory_space<vmem>>
      %dma_start3A_29 = tpu.memref_squeeze %dma_start3A_28 : memref<1x1024xf32, #tpu.memory_space<vmem>> -> memref<1024xf32, #tpu.memory_space<vmem>>
      %dma_start3A_30 = tpu.memref_slice %arg2[%run_scoped3A_14, %mul3A_2] : memref<8x32768xf32, #tpu.memory_space<hbm>> -> memref<1x1024xf32, #tpu.memory_space<hbm>>
      %dma_start3A_31 = tpu.memref_squeeze %dma_start3A_30 : memref<1x1024xf32, #tpu.memory_space<hbm>> -> memref<1024xf32, #tpu.memory_space<hbm>>
      %dma_start3A_32 = arith.constant 0 : i32
      %dma_start3A_33 = tpu.memref_slice %arg4[%run_scoped3A_15, %dma_start3A_32] : memref<8x1024xf32, #tpu.memory_space<vmem>> -> memref<1x1024xf32, #tpu.memory_space<vmem>>
      %dma_start3A_34 = tpu.memref_squeeze %dma_start3A_33 : memref<1x1024xf32, #tpu.memory_space<vmem>> -> memref<1024xf32, #tpu.memory_space<vmem>>
      %dma_start3A_35 = tpu.memref_slice %arg2[%run_scoped3A_14, %mul3A_2] : memref<8x32768xf32, #tpu.memory_space<hbm>> -> memref<1x1024xf32, #tpu.memory_space<hbm>>
      %dma_start3A_36 = tpu.memref_squeeze %dma_start3A_35 : memref<1x1024xf32, #tpu.memory_space<hbm>> -> memref<1024xf32, #tpu.memory_space<hbm>>
      tpu.enqueue_dma source(%dma_start3A_36 : memref<1024xf32, #tpu.memory_space<hbm>>) target(%dma_start3A_34 : memref<1024xf32, #tpu.memory_space<vmem>>) target_semaphore(%run_scoped3A_27 : memref<!tpu.dma_semaphore, #tpu.memory_space<semaphore_mem>>)
      %dma_wait3A = arith.constant 0 : i32
      %dma_wait3A_37 = tpu.memref_slice %arg4[%run_scoped3A_15, %dma_wait3A] : memref<8x1024xf32, #tpu.memory_space<vmem>> -> memref<1x1024xf32, #tpu.memory_space<vmem>>
      %dma_wait3A_38 = tpu.memref_squeeze %dma_wait3A_37 : memref<1x1024xf32, #tpu.memory_space<vmem>> -> memref<1024xf32, #tpu.memory_space<vmem>>
      %dma_wait3A_39 = tpu.memref_slice %arg2[%run_scoped3A_14, %mul3A_2] : memref<8x32768xf32, #tpu.memory_space<hbm>> -> memref<1x1024xf32, #tpu.memory_space<hbm>>
      %dma_wait3A_40 = tpu.memref_squeeze %dma_wait3A_39 : memref<1x1024xf32, #tpu.memory_space<hbm>> -> memref<1024xf32, #tpu.memory_space<hbm>>
      %dma_wait3A_41 = arith.constant 0 : i32
      %dma_wait3A_42 = tpu.memref_slice %arg4[%run_scoped3A_15, %dma_wait3A_41] : memref<8x1024xf32, #tpu.memory_space<vmem>> -> memref<1x1024xf32, #tpu.memory_space<vmem>>
      %dma_wait3A_43 = tpu.memref_squeeze %dma_wait3A_42 : memref<1x1024xf32, #tpu.memory_space<vmem>> -> memref<1024xf32, #tpu.memory_space<vmem>>
      %dma_wait3A_44 = tpu.memref_slice %arg2[%run_scoped3A_14, %mul3A_2] : memref<8x32768xf32, #tpu.memory_space<hbm>> -> memref<1x1024xf32, #tpu.memory_space<hbm>>
      %dma_wait3A_45 = tpu.memref_squeeze %dma_wait3A_44 : memref<1x1024xf32, #tpu.memory_space<hbm>> -> memref<1024xf32, #tpu.memory_space<hbm>>
      tpu.wait_dma2 semaphore(%run_scoped3A_27 : memref<!tpu.dma_semaphore, #tpu.memory_space<semaphore_mem>>) src(%dma_wait3A_45 : memref<1024xf32, #tpu.memory_space<hbm>>) dst(%dma_wait3A_43 : memref<1024xf32, #tpu.memory_space<vmem>>)
      tpu.yield
    }) : () -> ()
    %run_scoped3A_16 = arith.constant 7 : i32
    %run_scoped3A_17 = arith.constant 7 : i32
    "tpu.region"() ({
      %run_scoped3A_27 = tpu.sem_alloc : memref<!tpu.dma_semaphore, #tpu.memory_space<semaphore_mem>>
      %dma_start3A = arith.constant 0 : i32
      %dma_start3A_28 = tpu.memref_slice %arg4[%run_scoped3A_17, %dma_start3A] : memref<8x1024xf32, #tpu.memory_space<vmem>> -> memref<1x1024xf32, #tpu.memory_space<vmem>>
      %dma_start3A_29 = tpu.memref_squeeze %dma_start3A_28 : memref<1x1024xf32, #tpu.memory_space<vmem>> -> memref<1024xf32, #tpu.memory_space<vmem>>
      %dma_start3A_30 = tpu.memref_slice %arg2[%run_scoped3A_16, %mul3A_2] : memref<8x32768xf32, #tpu.memory_space<hbm>> -> memref<1x1024xf32, #tpu.memory_space<hbm>>
      %dma_start3A_31 = tpu.memref_squeeze %dma_start3A_30 : memref<1x1024xf32, #tpu.memory_space<hbm>> -> memref<1024xf32, #tpu.memory_space<hbm>>
      %dma_start3A_32 = arith.constant 0 : i32
      %dma_start3A_33 = tpu.memref_slice %arg4[%run_scoped3A_17, %dma_start3A_32] : memref<8x1024xf32, #tpu.memory_space<vmem>> -> memref<1x1024xf32, #tpu.memory_space<vmem>>
      %dma_start3A_34 = tpu.memref_squeeze %dma_start3A_33 : memref<1x1024xf32, #tpu.memory_space<vmem>> -> memref<1024xf32, #tpu.memory_space<vmem>>
      %dma_start3A_35 = tpu.memref_slice %arg2[%run_scoped3A_16, %mul3A_2] : memref<8x32768xf32, #tpu.memory_space<hbm>> -> memref<1x1024xf32, #tpu.memory_space<hbm>>
      %dma_start3A_36 = tpu.memref_squeeze %dma_start3A_35 : memref<1x1024xf32, #tpu.memory_space<hbm>> -> memref<1024xf32, #tpu.memory_space<hbm>>
      tpu.enqueue_dma source(%dma_start3A_36 : memref<1024xf32, #tpu.memory_space<hbm>>) target(%dma_start3A_34 : memref<1024xf32, #tpu.memory_space<vmem>>) target_semaphore(%run_scoped3A_27 : memref<!tpu.dma_semaphore, #tpu.memory_space<semaphore_mem>>)
      %dma_wait3A = arith.constant 0 : i32
      %dma_wait3A_37 = tpu.memref_slice %arg4[%run_scoped3A_17, %dma_wait3A] : memref<8x1024xf32, #tpu.memory_space<vmem>> -> memref<1x1024xf32, #tpu.memory_space<vmem>>
      %dma_wait3A_38 = tpu.memref_squeeze %dma_wait3A_37 : memref<1x1024xf32, #tpu.memory_space<vmem>> -> memref<1024xf32, #tpu.memory_space<vmem>>
      %dma_wait3A_39 = tpu.memref_slice %arg2[%run_scoped3A_16, %mul3A_2] : memref<8x32768xf32, #tpu.memory_space<hbm>> -> memref<1x1024xf32, #tpu.memory_space<hbm>>
      %dma_wait3A_40 = tpu.memref_squeeze %dma_wait3A_39 : memref<1x1024xf32, #tpu.memory_space<hbm>> -> memref<1024xf32, #tpu.memory_space<hbm>>
      %dma_wait3A_41 = arith.constant 0 : i32
      %dma_wait3A_42 = tpu.memref_slice %arg4[%run_scoped3A_17, %dma_wait3A_41] : memref<8x1024xf32, #tpu.memory_space<vmem>> -> memref<1x1024xf32, #tpu.memory_space<vmem>>
      %dma_wait3A_43 = tpu.memref_squeeze %dma_wait3A_42 : memref<1x1024xf32, #tpu.memory_space<vmem>> -> memref<1024xf32, #tpu.memory_space<vmem>>
      %dma_wait3A_44 = tpu.memref_slice %arg2[%run_scoped3A_16, %mul3A_2] : memref<8x32768xf32, #tpu.memory_space<hbm>> -> memref<1x1024xf32, #tpu.memory_space<hbm>>
      %dma_wait3A_45 = tpu.memref_squeeze %dma_wait3A_44 : memref<1x1024xf32, #tpu.memory_space<hbm>> -> memref<1024xf32, #tpu.memory_space<hbm>>
      tpu.wait_dma2 semaphore(%run_scoped3A_27 : memref<!tpu.dma_semaphore, #tpu.memory_space<semaphore_mem>>) src(%dma_wait3A_45 : memref<1024xf32, #tpu.memory_space<hbm>>) dst(%dma_wait3A_43 : memref<1024xf32, #tpu.memory_space<vmem>>)
      tpu.yield
    }) : () -> ()
    %scan3A = arith.constant 0 : i32
    %scan3A_18 = arith.constant 0 : i32
    %scan3A_19 = arith.constant 64 : i32
    %scan3A_20 = arith.addi %scan3A_18, %scan3A_19 : i32
    %scan3A_21 = arith.constant 1 : i32
    scf.for %scan3A_27 = %scan3A_18 to %scan3A_20 step %scan3A_21  : i32 {
      %mul3A_28 = arith.constant 16 : i32
      %mul3A_29 = arith.muli %scan3A_27, %mul3A_28 : i32
      %get3A = arith.constant 0 : i32
      %get3A_30 = arith.index_cast %get3A : i32 to index
      %get3A_31 = arith.index_cast %mul3A_29 : i32 to index
      %get3A_32 = tpu.vector_load %arg4[%get3A_30, %get3A_31] {strides = array<i32>} : memref<8x1024xf32, #tpu.memory_space<vmem>>, vector<1x16xf32>,
      %get3A_33 = vector.shape_cast %get3A_32 : vector<1x16xf32> to vector<16xf32>
      %get3A_34 = arith.constant 1 : i32
      %get3A_35 = arith.index_cast %get3A_34 : i32 to index
      %get3A_36 = arith.index_cast %mul3A_29 : i32 to index
      %get3A_37 = tpu.vector_load %arg4[%get3A_35, %get3A_36] {strides = array<i32>} : memref<8x1024xf32, #tpu.memory_space<vmem>>, vector<1x16xf32>,
      %get3A_38 = vector.shape_cast %get3A_37 : vector<1x16xf32> to vector<16xf32>
      %get3A_39 = arith.constant 2 : i32
      %get3A_40 = arith.index_cast %get3A_39 : i32 to index
      %get3A_41 = arith.index_cast %mul3A_29 : i32 to index
      %get3A_42 = tpu.vector_load %arg4[%get3A_40, %get3A_41] {strides = array<i32>} : memref<8x1024xf32, #tpu.memory_space<vmem>>, vector<1x16xf32>,
      %get3A_43 = vector.shape_cast %get3A_42 : vector<1x16xf32> to vector<16xf32>
      %get3A_44 = arith.constant 3 : i32
      %get3A_45 = arith.index_cast %get3A_44 : i32 to index
      %get3A_46 = arith.index_cast %mul3A_29 : i32 to index
      %get3A_47 = tpu.vector_load %arg4[%get3A_45, %get3A_46] {strides = array<i32>} : memref<8x1024xf32, #tpu.memory_space<vmem>>, vector<1x16xf32>,
      %get3A_48 = vector.shape_cast %get3A_47 : vector<1x16xf32> to vector<16xf32>
      %get3A_49 = arith.constant 4 : i32
      %get3A_50 = arith.index_cast %get3A_49 : i32 to index
      %get3A_51 = arith.index_cast %mul3A_29 : i32 to index
      %get3A_52 = tpu.vector_load %arg4[%get3A_50, %get3A_51] {strides = array<i32>} : memref<8x1024xf32, #tpu.memory_space<vmem>>, vector<1x16xf32>,
      %get3A_53 = vector.shape_cast %get3A_52 : vector<1x16xf32> to vector<16xf32>
      %get3A_54 = arith.constant 5 : i32
      %get3A_55 = arith.index_cast %get3A_54 : i32 to index
      %get3A_56 = arith.index_cast %mul3A_29 : i32 to index
      %get3A_57 = tpu.vector_load %arg4[%get3A_55, %get3A_56] {strides = array<i32>} : memref<8x1024xf32, #tpu.memory_space<vmem>>, vector<1x16xf32>,
      %get3A_58 = vector.shape_cast %get3A_57 : vector<1x16xf32> to vector<16xf32>
      %get3A_59 = arith.constant 6 : i32
      %get3A_60 = arith.index_cast %get3A_59 : i32 to index
      %get3A_61 = arith.index_cast %mul3A_29 : i32 to index
      %get3A_62 = tpu.vector_load %arg4[%get3A_60, %get3A_61] {strides = array<i32>} : memref<8x1024xf32, #tpu.memory_space<vmem>>, vector<1x16xf32>,
      %get3A_63 = vector.shape_cast %get3A_62 : vector<1x16xf32> to vector<16xf32>
      %get3A_64 = arith.constant 7 : i32
      %get3A_65 = arith.index_cast %get3A_64 : i32 to index
      %get3A_66 = arith.index_cast %mul3A_29 : i32 to index
      %get3A_67 = tpu.vector_load %arg4[%get3A_65, %get3A_66] {strides = array<i32>} : memref<8x1024xf32, #tpu.memory_space<vmem>>, vector<1x16xf32>,
      %get3A_68 = vector.shape_cast %get3A_67 : vector<1x16xf32> to vector<16xf32>
      %broadcast_in_dim3A = arith.constant 0xFF800000 : f32
      %broadcast_in_dim3A_69 = vector.broadcast %broadcast_in_dim3A : f32 to vector<16xf32>
      %broadcast_in_dim3A_70 = arith.constant 0 : i32
      %broadcast_in_dim3A_71 = vector.broadcast %broadcast_in_dim3A_70 : i32 to vector<16xi32>
      %gt3A = arith.cmpf ogt, %get3A_38, %get3A_33 : vector<16xf32>
      %jit3A = arith.constant 1 : i32
      %broadcast_in_dim3A_72 = vector.broadcast %jit3A : i32 to vector<16xi32>
      %select_n3A = arith.select %gt3A, %broadcast_in_dim3A_72, %broadcast_in_dim3A_71 : vector<16xi1>, vector<16xi32>
      %max3A = arith.maximumf %get3A_38, %get3A_33 : vector<16xf32>
      %gt3A_73 = arith.cmpf ogt, %get3A_43, %max3A : vector<16xf32>
      %jit3A_74 = arith.constant 2 : i32
      %broadcast_in_dim3A_75 = vector.broadcast %jit3A_74 : i32 to vector<16xi32>
      %select_n3A_76 = arith.select %gt3A_73, %broadcast_in_dim3A_75, %select_n3A : vector<16xi1>, vector<16xi32>
      %max3A_77 = arith.maximumf %get3A_43, %max3A : vector<16xf32>
      %gt3A_78 = arith.cmpf ogt, %get3A_48, %max3A_77 : vector<16xf32>
      %jit3A_79 = arith.constant 3 : i32
      %broadcast_in_dim3A_80 = vector.broadcast %jit3A_79 : i32 to vector<16xi32>
      %select_n3A_81 = arith.select %gt3A_78, %broadcast_in_dim3A_80, %select_n3A_76 : vector<16xi1>, vector<16xi32>
      %max3A_82 = arith.maximumf %get3A_48, %max3A_77 : vector<16xf32>
      %gt3A_83 = arith.cmpf ogt, %get3A_53, %max3A_82 : vector<16xf32>
      %jit3A_84 = arith.constant 4 : i32
      %broadcast_in_dim3A_85 = vector.broadcast %jit3A_84 : i32 to vector<16xi32>
      %select_n3A_86 = arith.select %gt3A_83, %broadcast_in_dim3A_85, %select_n3A_81 : vector<16xi1>, vector<16xi32>
      %max3A_87 = arith.maximumf %get3A_53, %max3A_82 : vector<16xf32>
      %gt3A_88 = arith.cmpf ogt, %get3A_58, %max3A_87 : vector<16xf32>
      %jit3A_89 = arith.constant 5 : i32
      %broadcast_in_dim3A_90 = vector.broadcast %jit3A_89 : i32 to vector<16xi32>
      %select_n3A_91 = arith.select %gt3A_88, %broadcast_in_dim3A_90, %select_n3A_86 : vector<16xi1>, vector<16xi32>
      %max3A_92 = arith.maximumf %get3A_58, %max3A_87 : vector<16xf32>
      %gt3A_93 = arith.cmpf ogt, %get3A_63, %max3A_92 : vector<16xf32>
      %jit3A_94 = arith.constant 6 : i32
      %broadcast_in_dim3A_95 = vector.broadcast %jit3A_94 : i32 to vector<16xi32>
      %select_n3A_96 = arith.select %gt3A_93, %broadcast_in_dim3A_95, %select_n3A_91 : vector<16xi1>, vector<16xi32>
      %max3A_97 = arith.maximumf %get3A_63, %max3A_92 : vector<16xf32>
      %gt3A_98 = arith.cmpf ogt, %get3A_68, %max3A_97 : vector<16xf32>
      %jit3A_99 = arith.constant 7 : i32
      %broadcast_in_dim3A_100 = vector.broadcast %jit3A_99 : i32 to vector<16xi32>
      %select_n3A_101 = arith.select %gt3A_98, %broadcast_in_dim3A_100, %select_n3A_96 : vector<16xi1>, vector<16xi32>
      %max3A_102 = arith.maximumf %get3A_68, %max3A_97 : vector<16xf32>
      %broadcast_in_dim3A_103 = arith.constant 0 : i32
      %broadcast_in_dim3A_104 = vector.broadcast %broadcast_in_dim3A_103 : i32 to vector<16xi32>
      %eq3A = arith.constant 0 : i32
      %eq3A_105 = vector.broadcast %eq3A : i32 to vector<16xi32>
      %eq3A_106 = arith.cmpi eq, %select_n3A_101, %eq3A_105 : vector<16xi32>
      %select_n3A_107 = arith.select %eq3A_106, %broadcast_in_dim3A_69, %get3A_33 : vector<16xi1>, vector<16xf32>
      %gt3A_108 = arith.cmpf ogt, %select_n3A_107, %broadcast_in_dim3A_69 : vector<16xf32>
      %jit3A_109 = arith.constant 0 : i32
      %broadcast_in_dim3A_110 = vector.broadcast %jit3A_109 : i32 to vector<16xi32>
      %select_n3A_111 = arith.select %gt3A_108, %broadcast_in_dim3A_110, %broadcast_in_dim3A_104 : vector<16xi1>, vector<16xi32>
      %max3A_112 = arith.maximumf %select_n3A_107, %broadcast_in_dim3A_69 : vector<16xf32>
      %eq3A_113 = arith.constant 1 : i32
      %eq3A_114 = vector.broadcast %eq3A_113 : i32 to vector<16xi32>
      %eq3A_115 = arith.cmpi eq, %select_n3A_101, %eq3A_114 : vector<16xi32>
      %select_n3A_116 = arith.select %eq3A_115, %broadcast_in_dim3A_69, %get3A_38 : vector<16xi1>, vector<16xf32>
      %gt3A_117 = arith.cmpf ogt, %select_n3A_116, %max3A_112 : vector<16xf32>
      %jit3A_118 = arith.constant 1 : i32
      %broadcast_in_dim3A_119 = vector.broadcast %jit3A_118 : i32 to vector<16xi32>
      %select_n3A_120 = arith.select %gt3A_117, %broadcast_in_dim3A_119, %select_n3A_111 : vector<16xi1>, vector<16xi32>
      %max3A_121 = arith.maximumf %select_n3A_116, %max3A_112 : vector<16xf32>
      %eq3A_122 = arith.constant 2 : i32
      %eq3A_123 = vector.broadcast %eq3A_122 : i32 to vector<16xi32>
      %eq3A_124 = arith.cmpi eq, %select_n3A_101, %eq3A_123 : vector<16xi32>
      %select_n3A_125 = arith.select %eq3A_124, %broadcast_in_dim3A_69, %get3A_43 : vector<16xi1>, vector<16xf32>
      %gt3A_126 = arith.cmpf ogt, %select_n3A_125, %max3A_121 : vector<16xf32>
      %jit3A_127 = arith.constant 2 : i32
      %broadcast_in_dim3A_128 = vector.broadcast %jit3A_127 : i32 to vector<16xi32>
      %select_n3A_129 = arith.select %gt3A_126, %broadcast_in_dim3A_128, %select_n3A_120 : vector<16xi1>, vector<16xi32>
      %max3A_130 = arith.maximumf %select_n3A_125, %max3A_121 : vector<16xf32>
      %eq3A_131 = arith.constant 3 : i32
      %eq3A_132 = vector.broadcast %eq3A_131 : i32 to vector<16xi32>
      %eq3A_133 = arith.cmpi eq, %select_n3A_101, %eq3A_132 : vector<16xi32>
      %select_n3A_134 = arith.select %eq3A_133, %broadcast_in_dim3A_69, %get3A_48 : vector<16xi1>, vector<16xf32>
      %gt3A_135 = arith.cmpf ogt, %select_n3A_134, %max3A_130 : vector<16xf32>
      %jit3A_136 = arith.constant 3 : i32
      %broadcast_in_dim3A_137 = vector.broadcast %jit3A_136 : i32 to vector<16xi32>
      %select_n3A_138 = arith.select %gt3A_135, %broadcast_in_dim3A_137, %select_n3A_129 : vector<16xi1>, vector<16xi32>
      %max3A_139 = arith.maximumf %select_n3A_134, %max3A_130 : vector<16xf32>
      %eq3A_140 = arith.constant 4 : i32
      %eq3A_141 = vector.broadcast %eq3A_140 : i32 to vector<16xi32>
      %eq3A_142 = arith.cmpi eq, %select_n3A_101, %eq3A_141 : vector<16xi32>
      %select_n3A_143 = arith.select %eq3A_142, %broadcast_in_dim3A_69, %get3A_53 : vector<16xi1>, vector<16xf32>
      %gt3A_144 = arith.cmpf ogt, %select_n3A_143, %max3A_139 : vector<16xf32>
      %jit3A_145 = arith.constant 4 : i32
      %broadcast_in_dim3A_146 = vector.broadcast %jit3A_145 : i32 to vector<16xi32>
      %select_n3A_147 = arith.select %gt3A_144, %broadcast_in_dim3A_146, %select_n3A_138 : vector<16xi1>, vector<16xi32>
      %max3A_148 = arith.maximumf %select_n3A_143, %max3A_139 : vector<16xf32>
      %eq3A_149 = arith.constant 5 : i32
      %eq3A_150 = vector.broadcast %eq3A_149 : i32 to vector<16xi32>
      %eq3A_151 = arith.cmpi eq, %select_n3A_101, %eq3A_150 : vector<16xi32>
      %select_n3A_152 = arith.select %eq3A_151, %broadcast_in_dim3A_69, %get3A_58 : vector<16xi1>, vector<16xf32>
      %gt3A_153 = arith.cmpf ogt, %select_n3A_152, %max3A_148 : vector<16xf32>
      %jit3A_154 = arith.constant 5 : i32
      %broadcast_in_dim3A_155 = vector.broadcast %jit3A_154 : i32 to vector<16xi32>
      %select_n3A_156 = arith.select %gt3A_153, %broadcast_in_dim3A_155, %select_n3A_147 : vector<16xi1>, vector<16xi32>
      %max3A_157 = arith.maximumf %select_n3A_152, %max3A_148 : vector<16xf32>
      %eq3A_158 = arith.constant 6 : i32
      %eq3A_159 = vector.broadcast %eq3A_158 : i32 to vector<16xi32>
      %eq3A_160 = arith.cmpi eq, %select_n3A_101, %eq3A_159 : vector<16xi32>
      %select_n3A_161 = arith.select %eq3A_160, %broadcast_in_dim3A_69, %get3A_63 : vector<16xi1>, vector<16xf32>
      %gt3A_162 = arith.cmpf ogt, %select_n3A_161, %max3A_157 : vector<16xf32>
      %jit3A_163 = arith.constant 6 : i32
      %broadcast_in_dim3A_164 = vector.broadcast %jit3A_163 : i32 to vector<16xi32>
      %select_n3A_165 = arith.select %gt3A_162, %broadcast_in_dim3A_164, %select_n3A_156 : vector<16xi1>, vector<16xi32>
      %max3A_166 = arith.maximumf %select_n3A_161, %max3A_157 : vector<16xf32>
      %eq3A_167 = arith.constant 7 : i32
      %eq3A_168 = vector.broadcast %eq3A_167 : i32 to vector<16xi32>
      %eq3A_169 = arith.cmpi eq, %select_n3A_101, %eq3A_168 : vector<16xi32>
      %select_n3A_170 = arith.select %eq3A_169, %broadcast_in_dim3A_69, %get3A_68 : vector<16xi1>, vector<16xf32>
      %gt3A_171 = arith.cmpf ogt, %select_n3A_170, %max3A_166 : vector<16xf32>
      %jit3A_172 = arith.constant 7 : i32
      %broadcast_in_dim3A_173 = vector.broadcast %jit3A_172 : i32 to vector<16xi32>
      %select_n3A_174 = arith.select %gt3A_171, %broadcast_in_dim3A_173, %select_n3A_165 : vector<16xi1>, vector<16xi32>
      %max3A_175 = arith.maximumf %select_n3A_170, %max3A_166 : vector<16xf32>
      %swap3A = arith.constant 0 : i32
      %swap3A_176 = arith.index_cast %swap3A : i32 to index
      %swap3A_177 = arith.index_cast %mul3A_29 : i32 to index
      %swap3A_178 = tpu.vector_load %arg5[%swap3A_176, %swap3A_177] {strides = array<i32>} : memref<2x1024xi32, #tpu.memory_space<vmem>>, vector<1x16xi32>,
      %swap3A_179 = vector.shape_cast %swap3A_178 : vector<1x16xi32> to vector<16xi32>
      %swap3A_180 = vector.shape_cast %select_n3A_101 : vector<16xi32> to vector<1x16xi32>
      tpu.vector_store %arg5[%swap3A_176, %swap3A_177], %swap3A_180 {strides = array<i32>} : memref<2x1024xi32, #tpu.memory_space<vmem>>, vector<1x16xi32>,
      %swap3A_181 = arith.constant 1 : i32
      %swap3A_182 = arith.index_cast %swap3A_181 : i32 to index
      %swap3A_183 = arith.index_cast %mul3A_29 : i32 to index
      %swap3A_184 = tpu.vector_load %arg5[%swap3A_182, %swap3A_183] {strides = array<i32>} : memref<2x1024xi32, #tpu.memory_space<vmem>>, vector<1x16xi32>,
      %swap3A_185 = vector.shape_cast %swap3A_184 : vector<1x16xi32> to vector<16xi32>
      %swap3A_186 = vector.shape_cast %select_n3A_174 : vector<16xi32> to vector<1x16xi32>
      tpu.vector_store %arg5[%swap3A_182, %swap3A_183], %swap3A_186 {strides = array<i32>} : memref<2x1024xi32, #tpu.memory_space<vmem>>, vector<1x16xi32>,
    }
    %scan3A_22 = arith.constant 64 : i32
    %run_scoped3A_23 = arith.constant 0 : i32
    %run_scoped3A_24 = arith.constant 0 : i32
    "tpu.region"() ({
      %run_scoped3A_27 = tpu.sem_alloc : memref<!tpu.dma_semaphore, #tpu.memory_space<semaphore_mem>>
      %dma_start3A = arith.constant 0 : i32
      %dma_start3A_28 = tpu.memref_slice %arg5[%run_scoped3A_23, %dma_start3A] : memref<2x1024xi32, #tpu.memory_space<vmem>> -> memref<1x1024xi32, #tpu.memory_space<vmem>>
      %dma_start3A_29 = tpu.memref_squeeze %dma_start3A_28 : memref<1x1024xi32, #tpu.memory_space<vmem>> -> memref<1024xi32, #tpu.memory_space<vmem>>
      %dma_start3A_30 = tpu.memref_slice %arg3[%run_scoped3A_24, %mul3A_2] : memref<2x32768xi32, #tpu.memory_space<hbm>> -> memref<1x1024xi32, #tpu.memory_space<hbm>>
      %dma_start3A_31 = tpu.memref_squeeze %dma_start3A_30 : memref<1x1024xi32, #tpu.memory_space<hbm>> -> memref<1024xi32, #tpu.memory_space<hbm>>
      %dma_start3A_32 = tpu.memref_slice %arg3[%run_scoped3A_24, %mul3A_2] : memref<2x32768xi32, #tpu.memory_space<hbm>> -> memref<1x1024xi32, #tpu.memory_space<hbm>>
      %dma_start3A_33 = tpu.memref_squeeze %dma_start3A_32 : memref<1x1024xi32, #tpu.memory_space<hbm>> -> memref<1024xi32, #tpu.memory_space<hbm>>
      %dma_start3A_34 = arith.constant 0 : i32
      %dma_start3A_35 = tpu.memref_slice %arg5[%run_scoped3A_23, %dma_start3A_34] : memref<2x1024xi32, #tpu.memory_space<vmem>> -> memref<1x1024xi32, #tpu.memory_space<vmem>>
      %dma_start3A_36 = tpu.memref_squeeze %dma_start3A_35 : memref<1x1024xi32, #tpu.memory_space<vmem>> -> memref<1024xi32, #tpu.memory_space<vmem>>
      tpu.enqueue_dma source(%dma_start3A_36 : memref<1024xi32, #tpu.memory_space<vmem>>) target(%dma_start3A_33 : memref<1024xi32, #tpu.memory_space<hbm>>) target_semaphore(%run_scoped3A_27 : memref<!tpu.dma_semaphore, #tpu.memory_space<semaphore_mem>>)
      %dma_wait3A = arith.constant 0 : i32
      %dma_wait3A_37 = tpu.memref_slice %arg5[%run_scoped3A_23, %dma_wait3A] : memref<2x1024xi32, #tpu.memory_space<vmem>> -> memref<1x1024xi32, #tpu.memory_space<vmem>>
      %dma_wait3A_38 = tpu.memref_squeeze %dma_wait3A_37 : memref<1x1024xi32, #tpu.memory_space<vmem>> -> memref<1024xi32, #tpu.memory_space<vmem>>
      %dma_wait3A_39 = tpu.memref_slice %arg3[%run_scoped3A_24, %mul3A_2] : memref<2x32768xi32, #tpu.memory_space<hbm>> -> memref<1x1024xi32, #tpu.memory_space<hbm>>
      %dma_wait3A_40 = tpu.memref_squeeze %dma_wait3A_39 : memref<1x1024xi32, #tpu.memory_space<hbm>> -> memref<1024xi32, #tpu.memory_space<hbm>>
      %dma_wait3A_41 = tpu.memref_slice %arg3[%run_scoped3A_24, %mul3A_2] : memref<2x32768xi32, #tpu.memory_space<hbm>> -> memref<1x1024xi32, #tpu.memory_space<hbm>>
      %dma_wait3A_42 = tpu.memref_squeeze %dma_wait3A_41 : memref<1x1024xi32, #tpu.memory_space<hbm>> -> memref<1024xi32, #tpu.memory_space<hbm>>
      %dma_wait3A_43 = arith.constant 0 : i32
      %dma_wait3A_44 = tpu.memref_slice %arg5[%run_scoped3A_23, %dma_wait3A_43] : memref<2x1024xi32, #tpu.memory_space<vmem>> -> memref<1x1024xi32, #tpu.memory_space<vmem>>
      %dma_wait3A_45 = tpu.memref_squeeze %dma_wait3A_44 : memref<1x1024xi32, #tpu.memory_space<vmem>> -> memref<1024xi32, #tpu.memory_space<vmem>>
      tpu.wait_dma2 semaphore(%run_scoped3A_27 : memref<!tpu.dma_semaphore, #tpu.memory_space<semaphore_mem>>) src(%dma_wait3A_45 : memref<1024xi32, #tpu.memory_space<vmem>>) dst(%dma_wait3A_42 : memref<1024xi32, #tpu.memory_space<hbm>>)
      tpu.yield
    }) : () -> ()
    %run_scoped3A_25 = arith.constant 1 : i32
    %run_scoped3A_26 = arith.constant 1 : i32
    "tpu.region"() ({
      %run_scoped3A_27 = tpu.sem_alloc : memref<!tpu.dma_semaphore, #tpu.memory_space<semaphore_mem>>
      %dma_start3A = arith.constant 0 : i32
      %dma_start3A_28 = tpu.memref_slice %arg5[%run_scoped3A_25, %dma_start3A] : memref<2x1024xi32, #tpu.memory_space<vmem>> -> memref<1x1024xi32, #tpu.memory_space<vmem>>
      %dma_start3A_29 = tpu.memref_squeeze %dma_start3A_28 : memref<1x1024xi32, #tpu.memory_space<vmem>> -> memref<1024xi32, #tpu.memory_space<vmem>>
      %dma_start3A_30 = tpu.memref_slice %arg3[%run_scoped3A_26, %mul3A_2] : memref<2x32768xi32, #tpu.memory_space<hbm>> -> memref<1x1024xi32, #tpu.memory_space<hbm>>
      %dma_start3A_31 = tpu.memref_squeeze %dma_start3A_30 : memref<1x1024xi32, #tpu.memory_space<hbm>> -> memref<1024xi32, #tpu.memory_space<hbm>>
      %dma_start3A_32 = tpu.memref_slice %arg3[%run_scoped3A_26, %mul3A_2] : memref<2x32768xi32, #tpu.memory_space<hbm>> -> memref<1x1024xi32, #tpu.memory_space<hbm>>
      %dma_start3A_33 = tpu.memref_squeeze %dma_start3A_32 : memref<1x1024xi32, #tpu.memory_space<hbm>> -> memref<1024xi32, #tpu.memory_space<hbm>>
      %dma_start3A_34 = arith.constant 0 : i32
      %dma_start3A_35 = tpu.memref_slice %arg5[%run_scoped3A_25, %dma_start3A_34] : memref<2x1024xi32, #tpu.memory_space<vmem>> -> memref<1x1024xi32, #tpu.memory_space<vmem>>
      %dma_start3A_36 = tpu.memref_squeeze %dma_start3A_35 : memref<1x1024xi32, #tpu.memory_space<vmem>> -> memref<1024xi32, #tpu.memory_space<vmem>>
      tpu.enqueue_dma source(%dma_start3A_36 : memref<1024xi32, #tpu.memory_space<vmem>>) target(%dma_start3A_33 : memref<1024xi32, #tpu.memory_space<hbm>>) target_semaphore(%run_scoped3A_27 : memref<!tpu.dma_semaphore, #tpu.memory_space<semaphore_mem>>)
      %dma_wait3A = arith.constant 0 : i32
      %dma_wait3A_37 = tpu.memref_slice %arg5[%run_scoped3A_25, %dma_wait3A] : memref<2x1024xi32, #tpu.memory_space<vmem>> -> memref<1x1024xi32, #tpu.memory_space<vmem>>
      %dma_wait3A_38 = tpu.memref_squeeze %dma_wait3A_37 : memref<1x1024xi32, #tpu.memory_space<vmem>> -> memref<1024xi32, #tpu.memory_space<vmem>>
      %dma_wait3A_39 = tpu.memref_slice %arg3[%run_scoped3A_26, %mul3A_2] : memref<2x32768xi32, #tpu.memory_space<hbm>> -> memref<1x1024xi32, #tpu.memory_space<hbm>>
      %dma_wait3A_40 = tpu.memref_squeeze %dma_wait3A_39 : memref<1x1024xi32, #tpu.memory_space<hbm>> -> memref<1024xi32, #tpu.memory_space<hbm>>
      %dma_wait3A_41 = tpu.memref_slice %arg3[%run_scoped3A_26, %mul3A_2] : memref<2x32768xi32, #tpu.memory_space<hbm>> -> memref<1x1024xi32, #tpu.memory_space<hbm>>
      %dma_wait3A_42 = tpu.memref_squeeze %dma_wait3A_41 : memref<1x1024xi32, #tpu.memory_space<hbm>> -> memref<1024xi32, #tpu.memory_space<hbm>>
      %dma_wait3A_43 = arith.constant 0 : i32
      %dma_wait3A_44 = tpu.memref_slice %arg5[%run_scoped3A_25, %dma_wait3A_43] : memref<2x1024xi32, #tpu.memory_space<vmem>> -> memref<1x1024xi32, #tpu.memory_space<vmem>>
      %dma_wait3A_45 = tpu.memref_squeeze %dma_wait3A_44 : memref<1x1024xi32, #tpu.memory_space<vmem>> -> memref<1024xi32, #tpu.memory_space<vmem>>
      tpu.wait_dma2 semaphore(%run_scoped3A_27 : memref<!tpu.dma_semaphore, #tpu.memory_space<semaphore_mem>>) src(%dma_wait3A_45 : memref<1024xi32, #tpu.memory_space<vmem>>) dst(%dma_wait3A_42 : memref<1024xi32, #tpu.memory_space<hbm>>)
      tpu.yield
    }) : () -> ()
    return
  }
}

module attributes {stable_mosaic.version = 14 : i64} {
  func.func @_router_body(%arg0: i32, %arg1: memref<1024x4x768xf32, #tpu.memory_space<vmem>>, %arg2: memref<768x8xf32, #tpu.memory_space<vmem>>, %arg3: memref<1x8xf32, #tpu.memory_space<vmem>>, %arg4: memref<8x4096xf32, #tpu.memory_space<vmem>>, %arg5: memref<8x4096xf32, #tpu.memory_space<vmem>>) attributes {dimension_semantics = [#tpu.dimension_semantics<arbitrary>], iteration_bounds = array<i64: 8>, scalar_prefetch = 0 : i64, scratch_operands = 0 : i64, tpu.core_type = #tpu.core_type<tc>, window_params = [{transform_indices = @transform_0, window_bounds = array<i64: 1024, 4, 768>}, {pipeline_mode = #tpu.pipeline_mode<synchronous>, transform_indices = @transform_1, window_bounds = array<i64: 768, 8>}, {pipeline_mode = #tpu.pipeline_mode<synchronous>, transform_indices = @transform_2, window_bounds = array<i64: 1, 8>}, {transform_indices = @transform_3, window_bounds = array<i64: 8, 4096>}, {transform_indices = @transform_4, window_bounds = array<i64: 8, 4096>}]} {
    %get3A = arith.constant 0 : index
    %get3A_0 = arith.constant 0 : index
    %get3A_1 = arith.constant 0 : index
    %get3A_2 = vector.load %arg1[%get3A, %get3A_0, %get3A_1] : memref<1024x4x768xf32, #tpu.memory_space<vmem>>, vector<1024x4x768xf32>
    %reshape3A = vector.shape_cast %get3A_2 : vector<1024x4x768xf32> to vector<4096x768xf32>
    %get3A_3 = arith.constant 0 : index
    %get3A_4 = arith.constant 0 : index
    %get3A_5 = vector.load %arg2[%get3A_3, %get3A_4] : memref<768x8xf32, #tpu.memory_space<vmem>>, vector<768x8xf32>
    %dot_general3A = arith.constant dense<0.000000e+00> : vector<4096x8xf32>
    %dot_general3A_6 = tpu.matmul %reshape3A, %get3A_5, %dot_general3A {dimension_numbers = #tpu.dot_dimension_numbers<[1], [0], [0], [1], [0, 0, 1, 1], [], []>, transpose_lhs_hint = false} : vector<4096x768xf32>, vector<768x8xf32>, vector<4096x8xf32> -> vector<4096x8xf32>
    %get3A_7 = arith.constant 0 : index
    %get3A_8 = arith.constant 0 : index
    %get3A_9 = vector.load %arg3[%get3A_7, %get3A_8] : memref<1x8xf32, #tpu.memory_space<vmem>>, vector<1x8xf32>
    %add3A = vector.broadcast %get3A_9 : vector<1x8xf32> to vector<4096x8xf32>
    %add3A_10 = arith.addf %dot_general3A_6, %add3A : vector<4096x8xf32>
    %transpose3A = tpu.transpose %add3A_10, [1, 0] : vector<4096x8xf32> -> vector<8x4096xf32>
    %swap3A = arith.constant 0 : index
    %swap3A_11 = arith.constant 0 : index
    %swap3A_12 = vector.load %arg4[%swap3A, %swap3A_11] : memref<8x4096xf32, #tpu.memory_space<vmem>>, vector<8x4096xf32>
    tpu.vector_store %arg4[%swap3A, %swap3A_11], %transpose3A {strides = array<i32>} : memref<8x4096xf32, #tpu.memory_space<vmem>>, vector<8x4096xf32>,
    %reduce_max3A = arith.constant dense<0xFF800000> : vector<4096xf32>
    %reduce_max3A_13 = vector.multi_reduction <maximumf>, %transpose3A, %reduce_max3A [0] : vector<8x4096xf32> to vector<4096xf32>
    %broadcast_in_dim3A = vector.shape_cast %reduce_max3A_13 : vector<4096xf32> to vector<1x4096xf32>
    %sub3A = vector.broadcast %broadcast_in_dim3A : vector<1x4096xf32> to vector<8x4096xf32>
    %sub3A_14 = arith.subf %transpose3A, %sub3A : vector<8x4096xf32>
    %exp3A = math.exp %sub3A_14 : vector<8x4096xf32>
    %reduce_sum3A = arith.constant dense<0.000000e+00> : vector<4096xf32>
    %reduce_sum3A_15 = vector.multi_reduction <add>, %exp3A, %reduce_sum3A [0] : vector<8x4096xf32> to vector<4096xf32>
    %broadcast_in_dim3A_16 = vector.shape_cast %reduce_sum3A_15 : vector<4096xf32> to vector<1x4096xf32>
    %div3A = vector.broadcast %broadcast_in_dim3A_16 : vector<1x4096xf32> to vector<8x4096xf32>
    %div3A_17 = arith.divf %exp3A, %div3A : vector<8x4096xf32>
    %swap3A_18 = arith.constant 0 : index
    %swap3A_19 = arith.constant 0 : index
    %swap3A_20 = vector.load %arg5[%swap3A_18, %swap3A_19] : memref<8x4096xf32, #tpu.memory_space<vmem>>, vector<8x4096xf32>
    tpu.vector_store %arg5[%swap3A_18, %swap3A_19], %div3A_17 {strides = array<i32>} : memref<8x4096xf32, #tpu.memory_space<vmem>>, vector<8x4096xf32>,
    return
  }
  func.func @transform_0(%arg0: i32) -> (i32, i32, i32) {
    %c0_i32 = arith.constant 0 : i32
    %c0_i32_0 = arith.constant 0 : i32
    %c0_i32_1 = arith.constant 0 : i32
    return %arg0, %c0_i32, %c0_i32_0 : i32, i32, i32
  }
  func.func @transform_1(%arg0: i32) -> (i32, i32) {
    %c0_i32 = arith.constant 0 : i32
    %c0_i32_0 = arith.constant 0 : i32
    %c0_i32_1 = arith.constant 0 : i32
    return %c0_i32, %c0_i32_0 : i32, i32
  }
  func.func @transform_2(%arg0: i32) -> (i32, i32) {
    %c0_i32 = arith.constant 0 : i32
    %c0_i32_0 = arith.constant 0 : i32
    %c0_i32_1 = arith.constant 0 : i32
    return %c0_i32, %c0_i32_0 : i32, i32
  }
  func.func @transform_3(%arg0: i32) -> (i32, i32) {
    %c0_i32 = arith.constant 0 : i32
    %c0_i32_0 = arith.constant 0 : i32
    return %c0_i32, %arg0 : i32, i32
  }
  func.func @transform_4(%arg0: i32) -> (i32, i32) {
    %c0_i32 = arith.constant 0 : i32
    %c0_i32_0 = arith.constant 0 : i32
    return %c0_i32, %arg0 : i32, i32
  }
}

</mosaic_0001>

<sc_bundles>
// kernel: kernel.4.cloned.1.call-start
scs
__scs_entry_jumppad:
0x0: {  	(pc) =	sbr.rel $0x88, $3  }
0x1: {  	(tag) =	ssettag $0x0;
	lr =	simm.s32 $0x1  }
0x2: {  	[smem:$0x3F9E] =	sst lr;
	_ =	strace $0xD0000000  }
0x3: {  	_ = 	snop  }
0x4: {  	_ = 	snop  }
0x5: {  	_ = 	snop  }
0x6: {  	_ = 	snop  }
0x7: {  	_ = 	snop  }
__scs_overlays_trampoline_lowered:
0x8: {  	[smem:$0x3FAD] =	sst s0  }
0x9: {  	[smem:$0x3FAE] =	sst s1  }
0xa: {  	[smem:$0x3FAF] =	sst s2  }
0xb: {  	[smem:$0x3FB0] =	sst s3  }
0xc: {  	[smem:$0x3FB1] =	sst s4  }
0xd: {  	[smem:$0x3FB2] =	sst s5  }
0xe: {  	[smem:$0x3FB3] =	sst s6  }
0xf: {  	[smem:$0x3FB4] =	sst s7  }
0x10: {  	[smem:$0x3FB5] =	sst s8  }
0x11: {  	[smem:$0x3FB6] =	sst s9;
	s0 =	simm.s32 @!p0 $0x0  }
0x12: {  	s1 =	sld [smem:$0x3F9C];
	s0 =	simm.s32 @p0 $0x1  }
0x13: {  	[smem:$0x3FB7] =	sst s0;
	s0 =	simm.s32 @!p1 $0x0  }
0x14: {  	s2 =	sld [smem:$0x3F9B];
	s0 =	simm.s32 @p1 $0x1  }
0x15: {  	[smem:$0x3FB8] =	sst s0;
	s0 =	simm.s32 @!p2 $0x0  }
0x16: {  	s3 =	sld [smem:$0x3FDB];
	s0 =	simm.s32 @p2 $0x1  }
0x17: {  	s4 =	simm.s32 $0x1BF5;
	[smem:$0x3FBA] =	sst s0  }
0x18: {  	s0 =	sld [smem:$0x3F9D];
	_ =	swait.ge [sflag:s4], $0x0  }
0x19: {  	s7 =	sld [smem:$0x3F9E]  }
0x1a: {  	s8 =	sadd.s32 $0xFFFFE003, lr  }
0x1b: {  	s9 =	sadd.s32 $0xFFFFFEF7, lr;
	s5 =	simm.s32 $0xFFFFFFFF;
	p2 =	slt.u32 s8, $0xFFFFF086  }
0x1c: {  	p1 =	slt.u32 s9, $0xF7A;
	s5 =	simm.s32 @!p2 $0x0  }
0x1d: {  	s5 =	simm.s32 @p1 $0x1;
	p0 =	seq.s32 s7, s2  }
0x1e: {  	s7 =	smul.u32 @!p0 $0xF7A, s2;
	p2 =	seq.s32 @!p0 s5, $0x0  }
0x1f: {  	s9 =	smul.u32 $0xF7A, s1;
	s8 =	simm.s32 @!p0 $0x1BF5;
	p2 =	por !p2, p0  }
0x20: {  	[sflag:s8] =	ssyncset.s32 @!p0 $0xFFFFF086;
	s6 =	sadd.s32 @!p0 s3, s7;
	s7 =	simm.s32 @!p0 $0x108  }
0x21: {  	s3 =	sadd.s32 s3, s9;
	s6 =	sadd.s32 @!p0 $0x88, s6;
	s7 =	simm.s32 @p2 $0x1082  }
0x22: {  	[simem:s7], [sflag:s8] =	dma.local @!p0 [hbm:s6], $0xF7A  }
0x23: {  	s9 =	sor.u32 $0xD0000000, s2;
	s6 =	simm.s32 $0x108;
	_ =	swait.ge @!p0 [sflag:s8], $0x0  }
0x24: {  	s3 =	sadd.s32 $0x88, s3;
	s6 =	simm.s32 @!p1 $0x1082;
	[sflag:s4] =	ssyncset.s32 $0xFFFFF086  }
0x25: {  	[simem:s6], [sflag:s4] =	dma.local [hbm:s3], $0xF7A  }
0x26: {  	[smem:$0x3F9E] =	sst s1;
	(tag) =	ssettag s2;
	_ =	strace s9  }
0x27: {  	s1 =	sld [smem:$0x3FAE]  }
0x28: {  	s2 =	sld [smem:$0x3FAF]  }
0x29: {  	s4 =	sld [smem:$0x3FB1]  }
0x2a: {  	p0 =	seq.s32 s5, $0x0;
	s5 =	sld [smem:$0x3FB2]  }
0x2b: {  	s6 =	sld [smem:$0x3FB3]  }
0x2c: {  	s7 =	sld [smem:$0x3FB4]  }
0x2d: {  	s3 =	simm.s32 $0x108;
	s8 =	sld [smem:$0x3FB5]  }
0x2e: {  	s3 =	simm.s32 @!p0 $0x1082;
	s9 =	sld [smem:$0x3FB6]  }
0x2f: {  	lr =	sadd.s32 s0, s3;
	s0 =	sld [smem:$0x3FAD]  }
0x30: {  	s3 =	sld [smem:$0x3FB0]  }
0x31: {  	[smem:$0x3FB9] =	sst s10  }
0x32: {  	s10 =	sld [smem:$0x3FB7];
	_ =	sdelay $0x3  }
0x33: {  	p0 =	seq.s32 s10, $0x1;
	s10 =	sld [smem:$0x3FB9];
	_ =	sdelay $0x3  }
0x34: {  	[smem:$0x3FB9] =	sst s10  }
0x35: {  	s10 =	sld [smem:$0x3FB8];
	_ =	sdelay $0x3  }
0x36: {  	p1 =	seq.s32 s10, $0x1;
	s10 =	sld [smem:$0x3FB9];
	_ =	sdelay $0x3  }
0x37: {  	[smem:$0x3FB9] =	sst s10  }
0x38: {  	s10 =	sld [smem:$0x3FBA]  }
0x39: {  	_ = 	snop;
	(pc) =	sbr.ind lr, $3  }
0x3a: {  	_ = 	snop  }
0x3b: {  	_ = 	snop  }
0x3c: {  	p2 =	seq.s32 s10, $0x1;
	s10 =	sld [smem:$0x3FB9]  }
0x3d: {  	_ =	shalt  }
0x3e: {  	_ =	shalt  }
0x3f: {  	_ =	shalt  }
0x40: {  	_ =	shalt  }
0x41: {  	_ =	shalt  }
0x42: {  	_ =	shalt  }
0x43: {  	_ =	shalt  }
0x44: {  	_ =	shalt  }
0x45: {  	_ =	shalt  }
0x46: {  	_ =	shalt  }
0x47: {  	_ =	shalt  }
0x48: {  	_ =	shalt  }
0x49: {  	_ =	shalt  }
0x4a: {  	_ =	shalt  }
0x4b: {  	_ =	shalt  }
0x4c: {  	_ =	shalt  }
0x4d: {  	_ =	shalt  }
0x4e: {  	_ =	shalt  }
0x4f: {  	_ =	shalt  }
0x50: {  	_ =	shalt  }
0x51: {  	_ =	shalt  }
0x52: {  	_ =	shalt  }
0x53: {  	_ =	shalt  }
0x54: {  	_ =	shalt  }
0x55: {  	_ =	shalt  }
0x56: {  	_ =	shalt  }
0x57: {  	_ =	shalt  }
0x58: {  	_ =	shalt  }
0x59: {  	_ =	shalt  }
0x5a: {  	_ =	shalt  }
0x5b: {  	_ =	shalt  }
0x5c: {  	_ =	shalt  }
0x5d: {  	_ =	shalt  }
0x5e: {  	_ =	shalt  }
0x5f: {  	_ =	shalt  }
0x60: {  	_ =	shalt  }
0x61: {  	_ =	shalt  }
0x62: {  	_ =	shalt  }
0x63: {  	_ =	shalt  }
0x64: {  	_ =	shalt  }
0x65: {  	_ =	shalt  }
0x66: {  	_ =	shalt  }
0x67: {  	_ =	shalt  }
0x68: {  	_ =	shalt  }
0x69: {  	_ =	shalt  }
0x6a: {  	_ =	shalt  }
0x6b: {  	_ =	shalt  }
0x6c: {  	_ =	shalt  }
0x6d: {  	_ =	shalt  }
0x6e: {  	_ =	shalt  }
0x6f: {  	_ =	shalt  }
0x70: {  	_ =	shalt  }
0x71: {  	_ =	shalt  }
0x72: {  	_ =	shalt  }
0x73: {  	_ =	shalt  }
0x74: {  	_ =	shalt  }
0x75: {  	_ =	shalt  }
0x76: {  	_ =	shalt  }
0x77: {  	_ =	shalt  }
0x78: {  	_ =	shalt  }
0x79: {  	_ =	shalt  }
0x7a: {  	_ =	shalt  }
0x7b: {  	_ =	shalt  }
0x7c: {  	_ =	shalt  }
0x7d: {  	_ =	shalt  }
0x7e: {  	_ =	shalt  }
0x7f: {  	_ =	shalt  }
0x80: {  	_ =	shalt  }
0x81: {  	_ =	shalt  }
0x82: {  	_ =	shalt  }
0x83: {  	_ =	shalt  }
0x84: {  	_ =	shalt  }
0x85: {  	_ =	shalt  }
0x86: {  	_ =	shalt  }
0x87: {  	_ =	shalt  }
.Lfunc_end0:
.L_simem_size_0:
called_computation_lowered:
.L_overlay_start_0:
0x88: {  	s2 =	sld [smem:$0x3FD9]  }
0x89: {  	s3 =	sld [smem:$0x3FFE];
	_ =	sdelay $0x1  }
0x8a: {  	s1 =	srdreg.scid  }
0x8b: {  	s0 =	sand.u32 $0x1, s1  }
0x8c: {  	s15 =	sshll.u32 s0, $0xA;
	s2 =	sadd.s32 s3, s2  }
0x8d: {  	s2 =	sadd.s32 s2, s15  }
0x8e: {  	[smem:$0x3FC5] =	sst s2  }
0x8f: {  	_ = 	snop  }
0x90: {  	s2 =	sld [smem:$0x3FD0];
	_ =	sdelay $0x2  }
0x91: {  	s16 =	simm.s32 $0xA;
	s4 =	simm.s32 $0x10  }
0x92: {  	[smem:s4], [sflag:s16] =	dma.local [hbm:s2], $0x1  }
0x93: {  	_ =	swait.eq [sflag:s16], $0x1  }
0x94: {  	[sflag:s16] =	ssyncset.done $0x0  }
0x95: {  	s17 =	sld [smem:$0x10];
	[sflag:s16] =	ssyncadd.s32 $0xFFFFFFFF  }
0x96: {  	s18 =	sld [smem:$0x12];
	(tm) =	ssettm $0x1  }
0x97: {  	s19 =	sld [smem:$0x3FFB];
	_ =	sdelay $0x3  }
0x98: {  	_ =	strace s19  }
0x99: {  	s4 =	sld [smem:$0x3FFC];
	_ =	sdelay $0x3  }
0x9a: {  	_ =	strace s4  }
0x9b: {  	s4 =	sld [smem:$0x3FFD];
	_ =	sdelay $0x3  }
0x9c: {  	_ =	strace s4  }
0x9d: {  	_ =	strace $0x8FFFFFFF  }
0x9e: {  	s20 =	sld [smem:$0x3FDB];
	_ =	sdelay $0x1  }
0x9f: {  	s5 =	simm.s32 $_scs_section_size  }
0xa0: {  	s6 =	simm.s32 $_size__tile_overlayer_lowered;
	s7 =	simm.s32 $_tile_overlayer_lowered  }
0xa1: {  	s23 =	simm.s32 $0x1BFF;
	s22 =	sshll.u32 s7, $0x1;
	s4 =	sadd.s32 s5, s20  }
0xa2: {  	s8 =	simm.s32 $0x0;
	s21 =	sshll.u32 s6, $0x1;
	s6 =	sadd.s32 s22, s4  }
0xa3: {  	[timem:s8], [sflag:s23] =	dma.local [hbm:s6], s21  }
0xa4: {  	_ =	swait.ge [sflag:s23], s21  }
0xa5: {  	s5 =	ssub.s32 $0x0, s21;
	[sflag:s23] =	ssyncset.done $0x0  }
0xa6: {  	[sflag:s23] =	ssyncadd.s32 s5;
	_ =	sdelay $0x1  }
0xa7: {  	s24 =	simm.s32 $0x1B8B  }
0xa8: {  	_ =	swait.ge [sflag:s24], $0x1  }
0xa9: {  	[sflag:s24] =	ssyncset.done $0x0  }
0xaa: {  	s25 =	simm.s32 $0x1B8E;
	[sflag:s24] =	ssyncadd.s32 $0xFFFFFFFF  }
0xab: {  	s26 =	simm.s32 $execute0_lowered;
	[smem:$0x3FD2] =	sst s25  }
0xac: {  	s5 =	sshll.u32 s26, $0x1;
	_ =	strace $0x80000046;
	[dreg:$0x1] =	wrdreg $0xFFFFFFFF  }
0xad: {  	s28 =	simm.s32 $_size_execute0_lowered;
	s4 =	sadd.s32 s4, s5;
	[dreg:$0x0] =	wrdreg $0x0  }
0xae: {  	s5 =	sshll.u32 s28, $0x1;
	[dreg:$0x2] =	wrdreg s4  }
0xaf: {  	[dreg:$0x3] =	wrdreg s5  }
0xb0: {  	[dreg:$0x4] =	wrdreg $0xC0  }
0xb1: {  	_ =	task [dreg:s8], $0x5FFFF  }
0xb2: {  	[dreg:$0x1] =	wrdreg $0xFFFFFFFF  }
0xb3: {  	[dreg:$0x0] =	wrdreg $0x60  }
0xb4: {  	[dreg:$0x2] =	wrdreg s17  }
0xb5: {  	[dreg:$0x3] =	wrdreg s18  }
0xb6: {  	[dreg:$0x4] =	wrdreg $0x9  }
0xb7: {  	_ =	task.clear_ibuf [dreg:s8], $0x5FFFF;
	_ =	strace $0x90000046  }
0xb8: {  	s29 =	simm.s32 $0x9;
	_ =	strace $0x80000048  }
0xb9: {  	_ =	swait.ge [sflag:s29], $0x1  }
0xba: {  	[sflag:s29] =	ssyncadd.s32 $0xFFFFFFFF  }
0xbb: {  	_ =	strace $0x90000048  }
0xbc: {  	_ =	sfence  }
0xbd: {  	s30 =	sld [smem:$0x0];
	_ =	sdelay $0x2  }
0xbe: {  	s31 =	sshll.u32 s1, $0xD;
	s1 =	sshrl.u32 s1, $0x2  }
0xbf: {  	s3 =	sand.u32 $0x4000, s31;
	s1 =	sadd.s32 s1, s30  }
0xc0: {  	s0 =	sor.u32 s3, s0;
	s1 =	sshll.u32 s1, $0x11  }
0xc1: {  	s0 =	sor.u32 s1, s0  }
0xc2: {  	s0 =	sadd.s32 $0x8F2B, s0  }
0xc3: {  	[sflag:s0] =	ssyncadd.remote.s32 $0x1  }
0xc4: {  	_ =	sfence.sel $0xFFFF  }
0xc5: {  	[dreg:$0x0] =	wrdreg $0xFFFFFFFF;
	(pc) =	sbr.abs _section_cstart, $3  }
0xc6: {  	[dreg:$0x1] =	wrdreg $0xFFFFFFFF  }
0xc7: {  	_ =	task.clear_ibuf [dreg:s8], $0x2FFFF;
	_ =	strace $0x9FFFFFFF  }
0xc8: {  	(tm) =	ssettm $0x7FFFFFFF  }
0xc9: {  	_ =	shalt  }
tec
execute0_lowered:
.L_overlay_start_1:
0x0: {  	(tag) =	ssettag $0x1  }
0x1: {  	s0 =	rddreg [dreg:$0x0]  }
0x2: {  	s1 =	rddreg [dreg:$0x1];
	s3 =	srdreg.scid  }
0x3: {  	s2 =	simm.s32 $0x0;
	s5 =	stileid.u32;
	s29 =	simm.s32 $0x1  }
0x4: {  	s21 =	simm.s32 $0x2680;
	s22 =	simm.s32 $0x2780;
	s3 =	sand.u32 $0x1, s3  }
0x5: {  	s23 =	simm.s32 $0x0;
	s5 =	sshll.u32 s5, $0xB;
	s4 =	ssub.s32 $0x2, s3  }
0x6: {  	[smem:$0x7FF] =	sst s2;
	s3 =	sshll.u32 s3, $0xA;
	s6 =	sshrl.u32 s4, $0x1  }
0x7: {  	_ =	strace $0x80000047;
	s9 =	sor.u32 s3, s5;
	s13 =	ssub.s32 s4, s6  }
0x8: {  	s3 =	sadd.s32 s0, s9;
	s31 =	sshrl.u32 s9, $0x2;
	s0 =	simm.s32 $0x2480  }
0x9: {  	s4 =	sadd.s32 $0x10, s3;
	s5 =	sadd.s32 $0x20, s3;
	s6 =	sadd.s32 $0x30, s3  }
0xa: {  	s7 =	sadd.s32 $0x40, s3;
	s8 =	sadd.s32 $0x50, s3;
	s9 =	sadd.s32 $0x60, s3  }
0xb: {  	s10 =	sadd.s32 $0x70, s3;
	s11 =	sadd.s32 s1, s31;
	s13 =	smax.u32 s13, $0x1  }
0xc: {  	s14 =	sadd.s32 $0x80, s3;
	s15 =	sadd.s32 $0x100, s3;
	s16 =	sadd.s32 $0x180, s3  }
0xd: {  	s17 =	sadd.s32 $0x200, s3;
	s18 =	sadd.s32 $0x280, s3;
	s19 =	sadd.s32 $0x300, s3  }
0xe: {  	v0 =	vimm.s32 $0x0;
	s20 =	sadd.s32 $0x380, s3;
	s1 =	simm.s32 $0x2580;
	s12 =	sadd.s32 $0x10, s11  }
.LBB2_1:
0xf: {  	[tilespmem:s2], [sflag:$0x1] =	stream.linear.gather [hbm4b:s3+s2], $0x80, $0x38;
	[tilespmem:$0x2800] =	vst v63  }
0x10: {  	s24 =	simm.s32 $0x400  }
0x11: {  	[tilespmem:s24], [sflag:$0x1] =	stream.linear.gather [hbm4b:s14+s2], $0x80, $0x38;
	[tilespmem:$0x2800] =	vst v63  }
0x12: {  	s25 =	simm.s32 $0x800  }
0x13: {  	[tilespmem:s25], [sflag:$0x1] =	stream.linear.gather [hbm4b:s15+s2], $0x80, $0x38;
	[tilespmem:$0x2800] =	vst v63  }
0x14: {  	s26 =	simm.s32 $0xC00  }
0x15: {  	[tilespmem:s26], [sflag:$0x1] =	stream.linear.gather [hbm4b:s16+s2], $0x80, $0x38;
	[tilespmem:$0x2800] =	vst v63  }
0x16: {  	s28 =	simm.s32 $0x1000  }
0x17: {  	[tilespmem:s28], [sflag:$0x1] =	stream.linear.gather [hbm4b:s17+s2], $0x80, $0x38;
	[tilespmem:$0x2800] =	vst v63  }
0x18: {  	s30 =	simm.s32 $0x1400  }
0x19: {  	[tilespmem:s30], [sflag:$0x1] =	stream.linear.gather [hbm4b:s18+s2], $0x80, $0x38;
	[tilespmem:$0x2800] =	vst v63  }
0x1a: {  	s31 =	simm.s32 $0x1800  }
0x1b: {  	[tilespmem:s31], [sflag:$0x1] =	stream.linear.gather [hbm4b:s19+s2], $0x80, $0x38;
	[tilespmem:$0x2800] =	vst v63  }
0x1c: {  	s25 =	simm.s32 $0x1C00  }
0x1d: {  	[tilespmem:s25], [sflag:$0x1] =	stream.linear.gather [hbm4b:s20+s2], $0x80, $0x38;
	[tilespmem:$0x2800] =	vst v63  }
0x1e: {  	_ =	swait.ge [sflag:s29], $0x400  }
0x1f: {  	[sflag:s29] =	ssyncset.done $0x0  }
0x20: {  	s26 =	simm.s32 $0x80;
	[sflag:s29] =	ssyncadd.s32 $0xFFFFFC00  }
0x21: {  	[tilespmem:s26], [sflag:$0x1] =	stream.linear.gather [hbm4b:s4+s2], $0x80, $0x38;
	[tilespmem:$0x2800] =	vst v63  }
0x22: {  	s28 =	sadd.s32 $0x80, s4;
	s25 =	simm.s32 $0x480  }
0x23: {  	[tilespmem:s25], [sflag:$0x1] =	stream.linear.gather [hbm4b:s28+s2], $0x80, $0x38;
	[tilespmem:$0x2800] =	vst v63  }
0x24: {  	s30 =	sadd.s32 $0x100, s4;
	s31 =	simm.s32 $0x880  }
0x25: {  	[tilespmem:s31], [sflag:$0x1] =	stream.linear.gather [hbm4b:s30+s2], $0x80, $0x38;
	[tilespmem:$0x2800] =	vst v63  }
0x26: {  	s26 =	sadd.s32 $0x180, s4;
	s28 =	simm.s32 $0xC80  }
0x27: {  	[tilespmem:s28], [sflag:$0x1] =	stream.linear.gather [hbm4b:s26+s2], $0x80, $0x38;
	[tilespmem:$0x2800] =	vst v63  }
0x28: {  	s30 =	sadd.s32 $0x200, s4;
	s31 =	simm.s32 $0x1080  }
0x29: {  	[tilespmem:s31], [sflag:$0x1] =	stream.linear.gather [hbm4b:s30+s2], $0x80, $0x38;
	[tilespmem:$0x2800] =	vst v63  }
0x2a: {  	s26 =	sadd.s32 $0x280, s4;
	s28 =	simm.s32 $0x1480  }
0x2b: {  	[tilespmem:s28], [sflag:$0x1] =	stream.linear.gather [hbm4b:s26+s2], $0x80, $0x38;
	[tilespmem:$0x2800] =	vst v63  }
0x2c: {  	s30 =	sadd.s32 $0x300, s4;
	s31 =	simm.s32 $0x1880  }
0x2d: {  	[tilespmem:s31], [sflag:$0x1] =	stream.linear.gather [hbm4b:s30+s2], $0x80, $0x38;
	[tilespmem:$0x2800] =	vst v63  }
0x2e: {  	s25 =	sadd.s32 $0x380, s4;
	s26 =	simm.s32 $0x1C80  }
0x2f: {  	[tilespmem:s26], [sflag:$0x1] =	stream.linear.gather [hbm4b:s25+s2], $0x80, $0x38;
	[tilespmem:$0x2800] =	vst v63  }
0x30: {  	_ =	swait.ge [sflag:s29], $0x400  }
0x31: {  	[sflag:s29] =	ssyncset.done $0x0  }
0x32: {  	s28 =	simm.s32 $0x100;
	[sflag:s29] =	ssyncadd.s32 $0xFFFFFC00  }
0x33: {  	[tilespmem:s28], [sflag:$0x1] =	stream.linear.gather [hbm4b:s5+s2], $0x80, $0x38;
	[tilespmem:$0x2800] =	vst v63  }
0x34: {  	s30 =	sadd.s32 $0x80, s5;
	s31 =	simm.s32 $0x500  }
0x35: {  	[tilespmem:s31], [sflag:$0x1] =	stream.linear.gather [hbm4b:s30+s2], $0x80, $0x38;
	[tilespmem:$0x2800] =	vst v63  }
0x36: {  	s26 =	sadd.s32 $0x100, s5;
	s28 =	simm.s32 $0x900  }
0x37: {  	[tilespmem:s28], [sflag:$0x1] =	stream.linear.gather [hbm4b:s26+s2], $0x80, $0x38;
	[tilespmem:$0x2800] =	vst v63  }
0x38: {  	s30 =	sadd.s32 $0x180, s5;
	s31 =	simm.s32 $0xD00  }
0x39: {  	[tilespmem:s31], [sflag:$0x1] =	stream.linear.gather [hbm4b:s30+s2], $0x80, $0x38;
	[tilespmem:$0x2800] =	vst v63  }
0x3a: {  	s26 =	sadd.s32 $0x200, s5;
	s28 =	simm.s32 $0x1100  }
0x3b: {  	[tilespmem:s28], [sflag:$0x1] =	stream.linear.gather [hbm4b:s26+s2], $0x80, $0x38;
	[tilespmem:$0x2800] =	vst v63  }
0x3c: {  	s30 =	sadd.s32 $0x280, s5;
	s31 =	simm.s32 $0x1500  }
0x3d: {  	[tilespmem:s31], [sflag:$0x1] =	stream.linear.gather [hbm4b:s30+s2], $0x80, $0x38;
	[tilespmem:$0x2800] =	vst v63  }
0x3e: {  	s26 =	sadd.s32 $0x300, s5;
	s28 =	simm.s32 $0x1900  }
0x3f: {  	[tilespmem:s28], [sflag:$0x1] =	stream.linear.gather [hbm4b:s26+s2], $0x80, $0x38;
	[tilespmem:$0x2800] =	vst v63  }
0x40: {  	s30 =	sadd.s32 $0x380, s5;
	s31 =	simm.s32 $0x1D00  }
0x41: {  	[tilespmem:s31], [sflag:$0x1] =	stream.linear.gather [hbm4b:s30+s2], $0x80, $0x38;
	[tilespmem:$0x2800] =	vst v63  }
0x42: {  	_ =	swait.ge [sflag:s29], $0x400  }
0x43: {  	[sflag:s29] =	ssyncset.done $0x0  }
0x44: {  	s25 =	simm.s32 $0x180;
	[sflag:s29] =	ssyncadd.s32 $0xFFFFFC00  }
0x45: {  	[tilespmem:s25], [sflag:$0x1] =	stream.linear.gather [hbm4b:s6+s2], $0x80, $0x38;
	[tilespmem:$0x2800] =	vst v63  }
0x46: {  	s26 =	sadd.s32 $0x80, s6;
	s28 =	simm.s32 $0x580  }
0x47: {  	[tilespmem:s28], [sflag:$0x1] =	stream.linear.gather [hbm4b:s26+s2], $0x80, $0x38;
	[tilespmem:$0x2800] =	vst v63  }
0x48: {  	s30 =	sadd.s32 $0x100, s6;
	s31 =	simm.s32 $0x980  }
0x49: {  	[tilespmem:s31], [sflag:$0x1] =	stream.linear.gather [hbm4b:s30+s2], $0x80, $0x38;
	[tilespmem:$0x2800] =	vst v63  }
0x4a: {  	s26 =	sadd.s32 $0x180, s6;
	s28 =	simm.s32 $0xD80  }
0x4b: {  	[tilespmem:s28], [sflag:$0x1] =	stream.linear.gather [hbm4b:s26+s2], $0x80, $0x38;
	[tilespmem:$0x2800] =	vst v63  }
0x4c: {  	s30 =	sadd.s32 $0x200, s6;
	s31 =	simm.s32 $0x1180  }
0x4d: {  	[tilespmem:s31], [sflag:$0x1] =	stream.linear.gather [hbm4b:s30+s2], $0x80, $0x38;
	[tilespmem:$0x2800] =	vst v63  }
0x4e: {  	s26 =	sadd.s32 $0x280, s6;
	s28 =	simm.s32 $0x1580  }
0x4f: {  	[tilespmem:s28], [sflag:$0x1] =	stream.linear.gather [hbm4b:s26+s2], $0x80, $0x38;
	[tilespmem:$0x2800] =	vst v63  }
0x50: {  	s30 =	sadd.s32 $0x300, s6;
	s31 =	simm.s32 $0x1980  }
0x51: {  	[tilespmem:s31], [sflag:$0x1] =	stream.linear.gather [hbm4b:s30+s2], $0x80, $0x38;
	[tilespmem:$0x2800] =	vst v63  }
0x52: {  	s25 =	sadd.s32 $0x380, s6;
	s26 =	simm.s32 $0x1D80  }
0x53: {  	[tilespmem:s26], [sflag:$0x1] =	stream.linear.gather [hbm4b:s25+s2], $0x80, $0x38;
	[tilespmem:$0x2800] =	vst v63  }
0x54: {  	_ =	swait.ge [sflag:s29], $0x400  }
0x55: {  	[sflag:s29] =	ssyncset.done $0x0  }
0x56: {  	s28 =	simm.s32 $0x200;
	[sflag:s29] =	ssyncadd.s32 $0xFFFFFC00  }
0x57: {  	[tilespmem:s28], [sflag:$0x1] =	stream.linear.gather [hbm4b:s7+s2], $0x80, $0x38;
	[tilespmem:$0x2800] =	vst v63  }
0x58: {  	s30 =	sadd.s32 $0x80, s7;
	s31 =	simm.s32 $0x600  }
0x59: {  	[tilespmem:s31], [sflag:$0x1] =	stream.linear.gather [hbm4b:s30+s2], $0x80, $0x38;
	[tilespmem:$0x2800] =	vst v63  }
0x5a: {  	s26 =	sadd.s32 $0x100, s7;
	s28 =	simm.s32 $0xA00  }
0x5b: {  	[tilespmem:s28], [sflag:$0x1] =	stream.linear.gather [hbm4b:s26+s2], $0x80, $0x38;
	[tilespmem:$0x2800] =	vst v63  }
0x5c: {  	s30 =	sadd.s32 $0x180, s7;
	s31 =	simm.s32 $0xE00  }
0x5d: {  	[tilespmem:s31], [sflag:$0x1] =	stream.linear.gather [hbm4b:s30+s2], $0x80, $0x38;
	[tilespmem:$0x2800] =	vst v63  }
0x5e: {  	s26 =	sadd.s32 $0x200, s7;
	s28 =	simm.s32 $0x1200  }
0x5f: {  	[tilespmem:s28], [sflag:$0x1] =	stream.linear.gather [hbm4b:s26+s2], $0x80, $0x38;
	[tilespmem:$0x2800] =	vst v63  }
0x60: {  	s30 =	sadd.s32 $0x280, s7;
	s31 =	simm.s32 $0x1600  }
0x61: {  	[tilespmem:s31], [sflag:$0x1] =	stream.linear.gather [hbm4b:s30+s2], $0x80, $0x38;
	[tilespmem:$0x2800] =	vst v63  }
0x62: {  	s26 =	sadd.s32 $0x300, s7;
	s28 =	simm.s32 $0x1A00  }
0x63: {  	[tilespmem:s28], [sflag:$0x1] =	stream.linear.gather [hbm4b:s26+s2], $0x80, $0x38;
	[tilespmem:$0x2800] =	vst v63  }
0x64: {  	s30 =	sadd.s32 $0x380, s7;
	s31 =	simm.s32 $0x1E00  }
0x65: {  	[tilespmem:s31], [sflag:$0x1] =	stream.linear.gather [hbm4b:s30+s2], $0x80, $0x38;
	[tilespmem:$0x2800] =	vst v63  }
0x66: {  	_ =	swait.ge [sflag:s29], $0x400  }
0x67: {  	[sflag:s29] =	ssyncset.done $0x0  }
0x68: {  	s25 =	simm.s32 $0x280;
	[sflag:s29] =	ssyncadd.s32 $0xFFFFFC00  }
0x69: {  	[tilespmem:s25], [sflag:$0x1] =	stream.linear.gather [hbm4b:s8+s2], $0x80, $0x38;
	[tilespmem:$0x2800] =	vst v63  }
0x6a: {  	s26 =	sadd.s32 $0x80, s8;
	s28 =	simm.s32 $0x680  }
0x6b: {  	[tilespmem:s28], [sflag:$0x1] =	stream.linear.gather [hbm4b:s26+s2], $0x80, $0x38;
	[tilespmem:$0x2800] =	vst v63  }
0x6c: {  	s30 =	sadd.s32 $0x100, s8;
	s31 =	simm.s32 $0xA80  }
0x6d: {  	[tilespmem:s31], [sflag:$0x1] =	stream.linear.gather [hbm4b:s30+s2], $0x80, $0x38;
	[tilespmem:$0x2800] =	vst v63  }
0x6e: {  	s26 =	sadd.s32 $0x180, s8;
	s28 =	simm.s32 $0xE80  }
0x6f: {  	[tilespmem:s28], [sflag:$0x1] =	stream.linear.gather [hbm4b:s26+s2], $0x80, $0x38;
	[tilespmem:$0x2800] =	vst v63  }
0x70: {  	s30 =	sadd.s32 $0x200, s8;
	s31 =	simm.s32 $0x1280  }
0x71: {  	[tilespmem:s31], [sflag:$0x1] =	stream.linear.gather [hbm4b:s30+s2], $0x80, $0x38;
	[tilespmem:$0x2800] =	vst v63  }
0x72: {  	s26 =	sadd.s32 $0x280, s8;
	s28 =	simm.s32 $0x1680  }
0x73: {  	[tilespmem:s28], [sflag:$0x1] =	stream.linear.gather [hbm4b:s26+s2], $0x80, $0x38;
	[tilespmem:$0x2800] =	vst v63  }
0x74: {  	s30 =	sadd.s32 $0x300, s8;
	s31 =	simm.s32 $0x1A80  }
0x75: {  	[tilespmem:s31], [sflag:$0x1] =	stream.linear.gather [hbm4b:s30+s2], $0x80, $0x38;
	[tilespmem:$0x2800] =	vst v63  }
0x76: {  	s25 =	sadd.s32 $0x380, s8;
	s26 =	simm.s32 $0x1E80  }
0x77: {  	[tilespmem:s26], [sflag:$0x1] =	stream.linear.gather [hbm4b:s25+s2], $0x80, $0x38;
	[tilespmem:$0x2800] =	vst v63  }
0x78: {  	_ =	swait.ge [sflag:s29], $0x400  }
0x79: {  	[sflag:s29] =	ssyncset.done $0x0  }
0x7a: {  	s28 =	simm.s32 $0x300;
	[sflag:s29] =	ssyncadd.s32 $0xFFFFFC00  }
0x7b: {  	[tilespmem:s28], [sflag:$0x1] =	stream.linear.gather [hbm4b:s9+s2], $0x80, $0x38;
	[tilespmem:$0x2800] =	vst v63  }
0x7c: {  	s30 =	sadd.s32 $0x80, s9;
	s31 =	simm.s32 $0x700  }
0x7d: {  	[tilespmem:s31], [sflag:$0x1] =	stream.linear.gather [hbm4b:s30+s2], $0x80, $0x38;
	[tilespmem:$0x2800] =	vst v63  }
0x7e: {  	s26 =	sadd.s32 $0x100, s9;
	s28 =	simm.s32 $0xB00  }
0x7f: {  	[tilespmem:s28], [sflag:$0x1] =	stream.linear.gather [hbm4b:s26+s2], $0x80, $0x38;
	[tilespmem:$0x2800] =	vst v63  }
0x80: {  	s30 =	sadd.s32 $0x180, s9;
	s31 =	simm.s32 $0xF00  }
0x81: {  	[tilespmem:s31], [sflag:$0x1] =	stream.linear.gather [hbm4b:s30+s2], $0x80, $0x38;
	[tilespmem:$0x2800] =	vst v63  }
0x82: {  	s26 =	sadd.s32 $0x200, s9;
	s28 =	simm.s32 $0x1300  }
0x83: {  	[tilespmem:s28], [sflag:$0x1] =	stream.linear.gather [hbm4b:s26+s2], $0x80, $0x38;
	[tilespmem:$0x2800] =	vst v63  }
0x84: {  	s30 =	sadd.s32 $0x280, s9;
	s31 =	simm.s32 $0x1700  }
0x85: {  	[tilespmem:s31], [sflag:$0x1] =	stream.linear.gather [hbm4b:s30+s2], $0x80, $0x38;
	[tilespmem:$0x2800] =	vst v63  }
0x86: {  	s26 =	sadd.s32 $0x300, s9;
	s28 =	simm.s32 $0x1B00  }
0x87: {  	[tilespmem:s28], [sflag:$0x1] =	stream.linear.gather [hbm4b:s26+s2], $0x80, $0x38;
	[tilespmem:$0x2800] =	vst v63  }
0x88: {  	s30 =	sadd.s32 $0x380, s9;
	s31 =	simm.s32 $0x1F00  }
0x89: {  	[tilespmem:s31], [sflag:$0x1] =	stream.linear.gather [hbm4b:s30+s2], $0x80, $0x38;
	[tilespmem:$0x2800] =	vst v63  }
0x8a: {  	_ =	swait.ge [sflag:s29], $0x400  }
0x8b: {  	[sflag:s29] =	ssyncset.done $0x0  }
0x8c: {  	s25 =	simm.s32 $0x380;
	[sflag:s29] =	ssyncadd.s32 $0xFFFFFC00  }
0x8d: {  	[tilespmem:s25], [sflag:$0x1] =	stream.linear.gather [hbm4b:s10+s2], $0x80, $0x38;
	[tilespmem:$0x2800] =	vst v63  }
0x8e: {  	s26 =	sadd.s32 $0x80, s10;
	s28 =	simm.s32 $0x780  }
0x8f: {  	[tilespmem:s28], [sflag:$0x1] =	stream.linear.gather [hbm4b:s26+s2], $0x80, $0x38;
	[tilespmem:$0x2800] =	vst v63  }
0x90: {  	s30 =	sadd.s32 $0x100, s10;
	s31 =	simm.s32 $0xB80  }
0x91: {  	[tilespmem:s31], [sflag:$0x1] =	stream.linear.gather [hbm4b:s30+s2], $0x80, $0x38;
	[tilespmem:$0x2800] =	vst v63  }
0x92: {  	s26 =	sadd.s32 $0x180, s10;
	s28 =	simm.s32 $0xF80  }
0x93: {  	[tilespmem:s28], [sflag:$0x1] =	stream.linear.gather [hbm4b:s26+s2], $0x80, $0x38;
	[tilespmem:$0x2800] =	vst v63  }
0x94: {  	s30 =	sadd.s32 $0x200, s10;
	s31 =	simm.s32 $0x1380  }
0x95: {  	[tilespmem:s31], [sflag:$0x1] =	stream.linear.gather [hbm4b:s30+s2], $0x80, $0x38;
	[tilespmem:$0x2800] =	vst v63  }
0x96: {  	s26 =	sadd.s32 $0x280, s10;
	s28 =	simm.s32 $0x1780  }
0x97: {  	[tilespmem:s28], [sflag:$0x1] =	stream.linear.gather [hbm4b:s26+s2], $0x80, $0x38;
	[tilespmem:$0x2800] =	vst v63  }
0x98: {  	s30 =	sadd.s32 $0x300, s10;
	s31 =	simm.s32 $0x1B80  }
0x99: {  	[tilespmem:s31], [sflag:$0x1] =	stream.linear.gather [hbm4b:s30+s2], $0x80, $0x38;
	[tilespmem:$0x2800] =	vst v63  }
0x9a: {  	s25 =	sadd.s32 $0x380, s10;
	s26 =	simm.s32 $0x1F80  }
0x9b: {  	[tilespmem:s26], [sflag:$0x1] =	stream.linear.gather [hbm4b:s25+s2], $0x80, $0x38;
	[tilespmem:$0x2800] =	vst v63  }
0x9c: {  	s28 =	simm.s32 $0x0;
	_ =	swait.ge [sflag:s29], $0x400  }
0x9d: {  	s24 =	sand.u32 $0x3FFFFC00, s28;
	s30 =	sand.u32 $0x70, s2;
	[sflag:s29] =	ssyncset.done $0x0  }
0x9e: {  	s24 =	sor.u32 s30, s24;
	[sflag:s29] =	ssyncadd.s32 $0xFFFFFC00  }
0x9f: {  	v2 =	vld [tilespmem:s24+$0x0]  }
0xa0: {  	v3 =	vld [tilespmem:s24+$0x80]  }
0xa1: {  	v4 =	vld [tilespmem:s24+$0x100]  }
0xa2: {  	v5 =	vld [tilespmem:s24+$0x180]  }
0xa3: {  	v6 =	vld [tilespmem:s24+$0x200]  }
0xa4: {  	v7 =	vld [tilespmem:s24+$0x280]  }
0xa5: {  	v8 =	vld [tilespmem:s24+$0x300];
	v1 =	vmax.f32 v3, v2  }
0xa6: {  	v9 =	vld [tilespmem:s24+$0x380];
	vm0 =	vgt.f32 v3, v2;
	v10 =	vmax.f32 v4, v1  }
0xa7: {  	v11 =	vsel vm0, $0x1, v0;
	vm0 =	vgt.f32 v4, v1;
	v1 =	vmax.f32 v5, v10  }
0xa8: {  	v11 =	vsel vm0, $0x2, v11;
	vm0 =	vgt.f32 v5, v10;
	v60 =	vmax.f32 v6, v1  }
0xa9: {  	v11 =	vsel vm0, $0x3, v11;
	vm0 =	vgt.f32 v6, v1;
	v1 =	vmax.f32 v7, v60  }
0xaa: {  	v11 =	vsel vm0, $0x4, v11;
	vm0 =	vgt.f32 v7, v60;
	v61 =	vmax.f32 v8, v1  }
0xab: {  	vm1 =	vgt.f32 v8, v1;
	v1 =	vsel vm0, $0x5, v11;
	vm0 =	vgt.f32 v9, v61  }
0xac: {  	v1 =	vsel vm1, $0x6, v1;
	vm0 =	vmneg vm0  }
0xad: {  	v62 =	vnsel vm0, $0x7, v1;
	vm1 =	vmand vm0, vm1;
	v1 =	vnsel vm0, $0xFF800000, v9  }
0xae: {  	vm0 =	veq.s32 v62, $0x0;
	vm2 =	veq.s32 v62, $0x1;
	vm3 =	veq.s32 v62, $0x5  }
0xaf: {  	v2 =	vsel vm0, $0xFF800000, v2;
	v3 =	vsel vm2, $0xFF800000, v3;
	vm0 =	veq.s32 v62, $0x4  }
0xb0: {  	vm2 =	vgt.f32 v3, v2;
	v3 =	vmax.f32 v3, v2;
	v6 =	vsel vm0, $0xFF800000, v6  }
0xb1: {  	vm0 =	veq.s32 v62, $0x2;
	v63 =	vsel vm2, $0x1, v0;
	vm2 =	veq.s32 v62, $0x3  }
0xb2: {  	s31 =	simm.s32 $0x0;
	v2 =	vsel vm1, $0xFF800000, v8;
	v4 =	vsel vm0, $0xFF800000, v4;
	v5 =	vsel vm2, $0xFF800000, v5  }
0xb3: {  	s24 =	sand.u32 $0x3FFFFF00, s31;
	vm0 =	vgt.f32 v4, v3;
	v4 =	vmax.f32 v4, v3;
	v3 =	vsel vm3, $0xFF800000, v7  }
0xb4: {  	s26 =	sor.u32 s30, s24;
	v7 =	vsel vm0, $0x2, v63;
	vm0 =	vgt.f32 v5, v4;
	v5 =	vmax.f32 v5, v4  }
0xb5: {  	s25 =	simm.s32 $0x0;
	s24 =	simm.s32 $0x1;
	[tilespmem:s26+$0x2000] =	vst v62;
	v4 =	vsel vm0, $0x3, v7;
	vm0 =	vgt.f32 v6, v5;
	v5 =	vmax.f32 v6, v5  }
.LBB2_2:
0xb6: {  	p0 =	sne.s32 s24, $0x3F  }
0xb7: {  	v4 =	vsel vm0, $0x4, v4;
	vm0 =	vgt.f32 v3, v5;
	v3 =	vmax.f32 v3, v5;
	s25 =	sadd.s32 $0x10, s25;
	s28 =	smov.u32 s24;
	s24 =	sadd.s32 $0x1, s24  }
0xb8: {  	s30 =	sshll.u32 s28, $0x7;
	v4 =	vsel vm0, $0x5, v4;
	vm0 =	vgt.f32 v2, v3;
	v2 =	vmax.f32 v2, v3  }
0xb9: {  	s31 =	sand.u32 $0x70, s25;
	s30 =	sand.u32 $0x3FFFFC00, s30;
	v3 =	vsel vm0, $0x6, v4;
	vm0 =	vgt.f32 v1, v2  }
0xba: {  	s30 =	sor.u32 s31, s30;
	v1 =	vsel vm0, $0x7, v3  }
0xbb: {  	[tilespmem:s26+$0x2080] =	vst v1  }
0xbc: {  	v2 =	vld [tilespmem:s30+$0x0]  }
0xbd: {  	v3 =	vld [tilespmem:s30+$0x80]  }
0xbe: {  	v4 =	vld [tilespmem:s30+$0x100]  }
0xbf: {  	v5 =	vld [tilespmem:s30+$0x180]  }
0xc0: {  	v6 =	vld [tilespmem:s30+$0x200]  }
0xc1: {  	v7 =	vld [tilespmem:s30+$0x280]  }
0xc2: {  	v8 =	vld [tilespmem:s30+$0x300];
	vm0 =	vgt.f32 v3, v2;
	v1 =	vmax.f32 v3, v2  }
0xc3: {  	v9 =	vld [tilespmem:s30+$0x380];
	v10 =	vsel vm0, $0x1, v0;
	vm0 =	vgt.f32 v4, v1;
	v1 =	vmax.f32 v4, v1  }
0xc4: {  	v10 =	vsel vm0, $0x2, v10;
	vm0 =	vgt.f32 v5, v1;
	v1 =	vmax.f32 v5, v1  }
0xc5: {  	v10 =	vsel vm0, $0x3, v10;
	vm0 =	vgt.f32 v6, v1;
	v1 =	vmax.f32 v6, v1  }
0xc6: {  	v10 =	vsel vm0, $0x4, v10;
	vm0 =	vgt.f32 v7, v1;
	v1 =	vmax.f32 v7, v1  }
0xc7: {  	v10 =	vsel vm0, $0x5, v10;
	vm0 =	vgt.f32 v8, v1;
	v1 =	vmax.f32 v8, v1  }
0xc8: {  	s26 =	sshll.u32 s28, $0x5;
	v10 =	vsel vm0, $0x6, v10;
	vm1 =	vgt.f32 v9, v1  }
0xc9: {  	s26 =	sand.u32 $0x3FFFFF00, s26;
	vm1 =	vmneg vm1  }
0xca: {  	s26 =	sor.u32 s31, s26;
	v10 =	vnsel vm1, $0x7, v10;
	vm0 =	vmand vm1, vm0;
	v1 =	vnsel vm1, $0xFF800000, v9  }
0xcb: {  	vm1 =	veq.s32 v10, $0x0;
	vm2 =	veq.s32 v10, $0x1;
	vm3 =	veq.s32 v10, $0x5;
	[tilespmem:s26+$0x2000] =	vst v10  }
0xcc: {  	v2 =	vsel vm1, $0xFF800000, v2;
	v3 =	vsel vm2, $0xFF800000, v3;
	vm1 =	veq.s32 v10, $0x4  }
0xcd: {  	vm2 =	vgt.f32 v3, v2;
	v3 =	vmax.f32 v3, v2;
	v6 =	vsel vm1, $0xFF800000, v6  }
.Ltmp0:
0xce: {  	vm1 =	veq.s32 v10, $0x2;
	v9 =	vsel vm2, $0x1, v0;
	vm2 =	veq.s32 v10, $0x3;
	(pc) =	sbr.rel @p0 .LBB2_2-.Ltmp0, $4  }
0xcf: {  	v2 =	vsel vm0, $0xFF800000, v8;
	v4 =	vsel vm1, $0xFF800000, v4;
	v5 =	vsel vm2, $0xFF800000, v5  }
0xd0: {  	vm0 =	vgt.f32 v4, v3;
	v4 =	vmax.f32 v4, v3;
	v3 =	vsel vm3, $0xFF800000, v7  }
0xd1: {  	v7 =	vsel vm0, $0x2, v9;
	vm0 =	vgt.f32 v5, v4;
	v5 =	vmax.f32 v5, v4  }
0xd2: {  	v4 =	vsel vm0, $0x3, v7;
	vm0 =	vgt.f32 v6, v5;
	v5 =	vmax.f32 v6, v5  }
0xd3: {  	v4 =	vsel vm0, $0x4, v4;
	vm13 =	vgt.f32 v3, v5;
	v3 =	vmax.f32 v3, v5  }
0xd4: {  	v4 =	vsel vm13, $0x5, v4;
	vm14 =	vgt.f32 v2, v3;
	v2 =	vmax.f32 v2, v3  }
0xd5: {  	v3 =	vsel vm14, $0x6, v4;
	vm15 =	vgt.f32 v1, v2  }
0xd6: {  	v1 =	vsel vm15, $0x7, v3  }
0xd7: {  	s24 =	simm.s32 $0x2000;
	[tilespmem:s26+$0x2080] =	vst v1  }
0xd8: {  	[hbm4b:s11+s2] =	stream.linear.scatter [tilespmem:s24], [sflag:$0x1], $0x80, $0x38;
	[tilespmem:$0x2800] =	vst v63  }
0xd9: {  	s28 =	sadd.s32 $0x20, s11;
	s25 =	simm.s32 $0x2100  }
0xda: {  	[hbm4b:s28+s2] =	stream.linear.scatter [tilespmem:s25], [sflag:$0x1], $0x80, $0x38;
	[tilespmem:$0x2800] =	vst v63  }
0xdb: {  	s30 =	sadd.s32 $0x40, s11;
	s31 =	simm.s32 $0x2200  }
0xdc: {  	[hbm4b:s30+s2] =	stream.linear.scatter [tilespmem:s31], [sflag:$0x1], $0x80, $0x38;
	[tilespmem:$0x2800] =	vst v63  }
0xdd: {  	s26 =	sadd.s32 $0x60, s11;
	s28 =	simm.s32 $0x2300  }
0xde: {  	[hbm4b:s26+s2] =	stream.linear.scatter [tilespmem:s28], [sflag:$0x1], $0x80, $0x38;
	[tilespmem:$0x2800] =	vst v63  }
0xdf: {  	s30 =	sadd.s32 $0x80, s11;
	s31 =	simm.s32 $0x2400  }
0xe0: {  	[hbm4b:s30+s2] =	stream.linear.scatter [tilespmem:s31], [sflag:$0x1], $0x80, $0x38;
	[tilespmem:$0x2800] =	vst v63  }
0xe1: {  	s26 =	sadd.s32 $0xA0, s11;
	s28 =	simm.s32 $0x2500  }
0xe2: {  	[hbm4b:s26+s2] =	stream.linear.scatter [tilespmem:s28], [sflag:$0x1], $0x80, $0x38;
	[tilespmem:$0x2800] =	vst v63  }
0xe3: {  	s30 =	sadd.s32 $0xC0, s11;
	s31 =	simm.s32 $0x2600  }
0xe4: {  	[hbm4b:s30+s2] =	stream.linear.scatter [tilespmem:s31], [sflag:$0x1], $0x80, $0x38;
	[tilespmem:$0x2800] =	vst v63  }
0xe5: {  	s25 =	sadd.s32 $0xE0, s11;
	s26 =	simm.s32 $0x2700  }
0xe6: {  	[hbm4b:s25+s2] =	stream.linear.scatter [tilespmem:s26], [sflag:$0x1], $0x80, $0x38;
	[tilespmem:$0x2800] =	vst v63  }
0xe7: {  	_ =	swait.ge [sflag:s29], $0x400  }
0xe8: {  	[sflag:s29] =	ssyncset.done $0x0  }
0xe9: {  	s28 =	simm.s32 $0x2080;
	[sflag:s29] =	ssyncadd.s32 $0xFFFFFC00  }
0xea: {  	[hbm4b:s12+s2] =	stream.linear.scatter [tilespmem:s28], [sflag:$0x1], $0x80, $0x38;
	[tilespmem:$0x2800] =	vst v63  }
0xeb: {  	s30 =	sadd.s32 $0x20, s12;
	s31 =	simm.s32 $0x2180  }
0xec: {  	[hbm4b:s30+s2] =	stream.linear.scatter [tilespmem:s31], [sflag:$0x1], $0x80, $0x38;
	[tilespmem:$0x2800] =	vst v63  }
0xed: {  	s26 =	sadd.s32 $0x40, s12;
	s28 =	simm.s32 $0x2280  }
0xee: {  	[hbm4b:s26+s2] =	stream.linear.scatter [tilespmem:s28], [sflag:$0x1], $0x80, $0x38;
	[tilespmem:$0x2800] =	vst v63  }
0xef: {  	s30 =	sadd.s32 $0x60, s12;
	s31 =	simm.s32 $0x2380  }
0xf0: {  	[hbm4b:s30+s2] =	stream.linear.scatter [tilespmem:s31], [sflag:$0x1], $0x80, $0x38;
	[tilespmem:$0x2800] =	vst v63  }
0xf1: {  	s26 =	sadd.s32 $0x80, s12  }
0xf2: {  	[hbm4b:s26+s2] =	stream.linear.scatter [tilespmem:s0], [sflag:$0x1], $0x80, $0x38;
	[tilespmem:$0x2800] =	vst v63  }
0xf3: {  	s23 =	sadd.s32 $0x1, s23;
	s28 =	sadd.s32 $0xA0, s12  }
0xf4: {  	[hbm4b:s28+s2] =	stream.linear.scatter [tilespmem:s1], [sflag:$0x1], $0x80, $0x38;
	[tilespmem:$0x2800] =	vst v63  }
0xf5: {  	p0 =	sne.s32 s23, s13;
	s30 =	sadd.s32 $0xC0, s12  }
0xf6: {  	[hbm4b:s30+s2] =	stream.linear.scatter [tilespmem:s21], [sflag:$0x1], $0x80, $0x38;
	[tilespmem:$0x2800] =	vst v63  }
.Ltmp1:
0xf7: {  	s31 =	sadd.s32 $0xE0, s12;
	(pc) =	sbr.rel @p0 .LBB2_1-.Ltmp1, $4  }
0xf8: {  	[hbm4b:s31+s2] =	stream.linear.scatter [tilespmem:s22], [sflag:$0x1], $0x80, $0x38;
	[tilespmem:$0x2800] =	vst v63  }
0xf9: {  	_ =	swait.ge [sflag:s29], $0x400  }
0xfa: {  	[sflag:s29] =	ssyncset.done $0x0  }
0xfb: {  	[sflag:s29] =	ssyncadd.s32 $0xFFFFFC00  }
0xfc: {  	_ =	sfence.sel $0x180000  }
0xfd: {  	[bflag:$0x0] =	sbarrier.arrive $0xFFFF  }
0xfe: {  	_ =	strace $0x90000047  }
0xff: {  	s0 =	stileid.u32;
	[bflag:$0x2] =	sbarrier.arrive $0xFFFF  }
0x100: {  	p0 =	sne.s32 s0, $0x0;
	s0 =	rddreg [dreg:$0x2]  }
0x101: {  	s0 =	sadd.s32 @!p0 $0x100000, s0  }
0x102: {  	[sflag:s0] =	ssyncadd.tile.s32 @!p0 $0x1;
	_ =	shalt  }
.Lfunc_end2:
_tile_overlayer_lowered:
.L_overlay_start_2:
0x103: {  	(tag) =	ssettag $0x2  }
0x104: {  	s0 =	rddreg [dreg:$0x0];
	s2 =	stileid.u32  }
0x105: {  	s1 =	rddreg [dreg:$0x1];
	p0 =	sne.s32 s2, $0x0  }
0x106: {  	s3 =	rddreg [dreg:$0x2];
	[bflag:$0x3] =	sbarrier.arrive $0xFFFF;
	s2 =	simm.s32 @!p0 $0x1C01  }
0x107: {  	[timem:s3], [sflag:s2] =	dma.local @!p0 [hbm:s0], s1  }
0x108: {  	s0 =	simm.s32 @!p0 $0x1  }
0x109: {  	_ =	swait.ge @!p0 [sflag:s0], s1  }
0x10a: {  	s1 =	ssub.s32 @!p0 $0x0, s1;
	[sflag:s0] =	ssyncset.done @!p0 $0x0  }
0x10b: {  	[sflag:s0] =	ssyncadd.s32 @!p0 s1  }
0x10c: {  	[bflag:$0x3] =	sbarrier.arrive $0xFFFF  }
0x10d: {  	_ =	shalt  }

</sc_bundles>
